<compile_context>
chip_gen: v7x
topology: tpu7x:2x2x1
jax: 0.10.2.dev20260603
libtpu: 0.0.44.dev20260713+nightly
codegen_flags: <defaults>
</compile_context>

<pallas_src>
import functools

import numpy as np
import jax
import jax.numpy as jnp
from jax import lax
from jax.experimental import pallas as pl
from jax.experimental.pallas import tpu as pltpu
from jax.experimental.pallas import tpu_sc as plsc

_NCLASSES = 80
_MAX_OUT = 100
_IOU_THR = 0.5
_NEG = np.float32(-1e10)
_N = 6300
_NPAD = 6400
_ROWS, _COLS = 8, 800
_L = 16
_CAP = _NPAD + _L
_OUTW = (_MAX_OUT + 1) * _L

_ANCHORS = np.array([
    [[0.024, 0.031], [0.038, 0.072], [0.079, 0.055]],
    [[0.072, 0.147], [0.149, 0.108], [0.142, 0.286]],
    [[0.279, 0.216], [0.375, 0.476], [0.897, 0.784]],
], dtype=np.float32)


def _build_consts():
    gx = np.zeros(_NPAD, np.float32)
    gy = np.zeros(_NPAD, np.float32)
    aw = np.ones(_NPAD, np.float32)
    ah = np.ones(_NPAD, np.float32)
    gsv = np.ones(_NPAD, np.float32)
    vmask = np.zeros(_NPAD, np.float32)
    base = 0
    for gs, anc in ((10, _ANCHORS[2]), (20, _ANCHORS[1]), (40, _ANCHORS[0])):
        n = gs * gs * 3
        ii, jj, aa = np.meshgrid(np.arange(gs), np.arange(gs), np.arange(3),
                                 indexing="ij")
        gx[base:base + n] = jj.ravel().astype(np.float32)
        gy[base:base + n] = ii.ravel().astype(np.float32)
        aw[base:base + n] = anc[aa.ravel(), 0]
        ah[base:base + n] = anc[aa.ravel(), 1]
        gsv[base:base + n] = float(gs)
        base += n
    vmask[:_N] = 1.0
    return np.stack([gx, gy, aw, ah, gsv, vmask]).reshape(6, _ROWS, _COLS)

_CONSTS = _build_consts()


def _decode_kernel(feat_ref, const_ref, dec_ref):
    gx = const_ref[0]
    gy = const_ref[1]
    aw = const_ref[2]
    ah = const_ref[3]
    gsv = const_ref[4]
    vmaskb = const_ref[5] > 0.0

    x = (feat_ref[0] + gx) / gsv
    y = (feat_ref[1] + gy) / gsv
    w = jnp.exp(feat_ref[2]) * aw
    h = jnp.exp(feat_ref[3]) * ah
    conf = feat_ref[4]
    x1 = x - w * 0.5
    x2 = x + w * 0.5
    y1 = y - h * 0.5
    y2 = y + h * 0.5

    best = feat_ref[5]
    bidx = jnp.zeros((_ROWS, _COLS), jnp.float32)
    for k in range(1, _NCLASSES):
        c = feat_ref[5 + k]
        upd = c > best
        best = jnp.where(upd, c, best)
        bidx = jnp.where(upd, jnp.float32(k), bidx)

    cmax_hi = jnp.max(jnp.where(vmaskb, best, jnp.float32(-3e38)))
    cmax_lo = jnp.min(jnp.where(vmaskb, best, jnp.float32(3e38)))
    s0 = conf * jnp.where(conf > 0.0, cmax_hi, cmax_lo)
    s0 = jnp.where((s0 > 0.0) & vmaskb, s0, _NEG)

    dec_ref[0] = x1
    dec_ref[1] = y1
    dec_ref[2] = x2
    dec_ref[3] = y2
    dec_ref[4] = bidx
    dec_ref[5] = s0


def _sc_nms(dec_hbm, out_hbm, x1v, y1v, x2v, y2v, clsv, scorev, gidxv,
            outacc_v, tmp_v):
    cid = lax.axis_index("c")
    tid = lax.axis_index("s")

    @pl.when((cid == 0) & (tid == 0))
    def _tile0():
        for r, ref in enumerate((x1v, y1v, x2v, y2v, clsv, scorev)):
            pltpu.sync_copy(dec_hbm.at[pl.ds(r * _NPAD, _NPAD)],
                            ref.at[pl.ds(0, _NPAD)])

        iota = lax.iota(jnp.int32, _L)
        negv = jnp.float32(_NEG)
        livethr = jnp.float32(_NEG * 0.5)

        def perm(v, ix):
            if v.dtype == jnp.int32:
                tmp_v[...] = plsc.bitcast(v, jnp.float32)
                return plsc.bitcast(plsc.load_gather(tmp_v, [ix]), jnp.int32)
            tmp_v[...] = v
            return plsc.load_gather(tmp_v, [ix])

        def bfly(v, op):
            for k in (1, 2, 4, 8):
                v = op(v, perm(v, lax.bitwise_xor(iota, k)))
            return v

        def comp(c, off):
            sl = pl.ds(c * _L, _L)
            s = scorev[sl]
            m = s > livethr
            ps = plsc.cumsum(jnp.where(m, 1, 0))
            pos = (off - 1) + ps
            plsc.store_scatter(scorev, [pos], s, mask=m)
            plsc.store_scatter(x1v, [pos], x1v[sl], mask=m)
            plsc.store_scatter(y1v, [pos], y1v[sl], mask=m)
            plsc.store_scatter(x2v, [pos], x2v[sl], mask=m)
            plsc.store_scatter(y2v, [pos], y2v[sl], mask=m)
            plsc.store_scatter(clsv, [pos], clsv[sl], mask=m)
            plsc.store_scatter(gidxv, [pos], iota + c * _L, mask=m)
            return off + ps[_L - 1]

        live = lax.fori_loop(0, _NPAD // _L, comp, jnp.int32(0))

        al = (live // _L) * _L
        tl = pl.ds(al, _L)
        lm = iota >= (live - al)
        scorev[tl] = jnp.where(lm, negv, scorev[tl])
        gidxv[tl] = jnp.where(lm, jnp.int32(0), gidxv[tl])
        nch = (live + (_L - 1)) // _L

        def body(i, carry):
            wx1, wy1, wx2, wy2, wa, wg, nv = carry

            def scan_chunk(c, acc):
                bs, bg, bp = acc
                sl = pl.ds(c * _L, _L)
                s = scorev[sl]
                bx1 = x1v[sl]
                by1 = y1v[sl]
                bx2 = x2v[sl]
                by2 = y2v[sl]
                ar = (jnp.maximum(bx2 - bx1, 0.0)
                      * jnp.maximum(by2 - by1, 0.0))
                gidx = gidxv[sl]
                cpos = iota + c * _L
                ix1 = jnp.maximum(wx1, bx1)
                iy1 = jnp.maximum(wy1, by1)
                ix2 = jnp.minimum(wx2, bx2)
                iy2 = jnp.minimum(wy2, by2)
                inter = (jnp.maximum(ix2 - ix1, 0.0)
                         * jnp.maximum(iy2 - iy1, 0.0))
                union = wa + ar - inter
                upos = union > 0.0
                iou = jnp.where(upos,
                                inter / jnp.where(upos, union, 1.0), 0.0)
                kill = (iou > _IOU_THR) | (gidx == wg)
                s = jnp.where(kill, negv, s)
                scorev[sl] = s
                upd = s > bs
                bs = jnp.where(upd, s, bs)
                bg = jnp.where(upd, gidx, bg)
                bp = jnp.where(upd, cpos, bp)
                return bs, bg, bp

            bs0 = jnp.full((_L,), -3e38, jnp.float32)
            bg0 = jnp.zeros((_L,), jnp.int32)
            bs, bg, bp = lax.fori_loop(0, nch, scan_chunk, (bs0, bg0, bg0))

            mg = bfly(bs, jnp.maximum)
            big = jnp.int32(2**31 - 1)
            gw = jnp.where(bs == mg, bg, big)
            pw = jnp.where(bs == mg, bp, jnp.int32(0))
            for k in (1, 2, 4, 8):
                g2 = perm(gw, lax.bitwise_xor(iota, k))
                p2 = perm(pw, lax.bitwise_xor(iota, k))
                take = g2 < gw
                gw = jnp.where(take, g2, gw)
                pw = jnp.where(take, p2, pw)
            nwx1 = plsc.load_gather(x1v, [pw])
            nwy1 = plsc.load_gather(y1v, [pw])
            nwx2 = plsc.load_gather(x2v, [pw])
            nwy2 = plsc.load_gather(y2v, [pw])
            nwcls = plsc.load_gather(clsv, [pw])
            nwa = (jnp.maximum(nwx2 - nwx1, 0.0)
                   * jnp.maximum(nwy2 - nwy1, 0.0))
            validv = mg > jnp.float32(_NEG * 0.5)

            zv = jnp.zeros((_L,), jnp.float32)
            orow = jnp.where(iota == 0, jnp.where(validv, nwx1, zv),
                   jnp.where(iota == 1, jnp.where(validv, nwy1, zv),
                   jnp.where(iota == 2, jnp.where(validv, nwx2, zv),
                   jnp.where(iota == 3, jnp.where(validv, nwy2, zv),
                   jnp.where(iota == 4, jnp.where(validv, mg, zv),
                   jnp.where(iota == 5, jnp.where(validv, nwcls, zv),
                             zv))))))
            outacc_v[pl.ds(i * _L, _L)] = orow

            nv = nv + jnp.where(validv, jnp.float32(1.0), jnp.float32(0.0))
            return (nwx1, nwy1, nwx2, nwy2, nwa, gw, nv)

        zv16 = jnp.zeros((_L,), jnp.float32)
        carry = (zv16, zv16, zv16, zv16, zv16,
                 jnp.full((_L,), -1, jnp.int32), zv16)
        carry = lax.fori_loop(0, _MAX_OUT, body, carry)

        nvrow = jnp.where(iota == 0, carry[6], jnp.zeros((_L,), jnp.float32))
        outacc_v[pl.ds(_MAX_OUT * _L, _L)] = nvrow
        pltpu.sync_copy(outacc_v, out_hbm)


@jax.jit
def kernel(grid0, grid1, grid2):
    parts = [grid0.reshape(-1, 85), grid1.reshape(-1, 85),
             grid2.reshape(-1, 85)]
    allf = jnp.concatenate(parts, axis=0)
    allf = jnp.pad(allf, ((0, _NPAD - _N), (0, 0)))
    feat = allf.T.reshape(85, _ROWS, _COLS)
    consts = jnp.asarray(_CONSTS)

    dec = pl.pallas_call(
        _decode_kernel,
        out_shape=jax.ShapeDtypeStruct((6, _ROWS, _COLS), jnp.float32),
        in_specs=[pl.BlockSpec(memory_space=pltpu.VMEM),
                  pl.BlockSpec(memory_space=pltpu.VMEM)],
        out_specs=pl.BlockSpec(memory_space=pltpu.VMEM),
    )(feat, consts)
    dec_flat = dec.reshape(-1)

    mesh = plsc.VectorSubcoreMesh(core_axis_name="c", subcore_axis_name="s",
                                  num_cores=2, num_subcores=16)
    nms = functools.partial(
        pl.kernel,
        out_type=jax.ShapeDtypeStruct((_OUTW,), jnp.float32),
        mesh=mesh,
        compiler_params=pltpu.CompilerParams(needs_layout_passes=False),
        scratch_types=[
            pltpu.VMEM((_CAP,), jnp.float32),
            pltpu.VMEM((_CAP,), jnp.float32),
            pltpu.VMEM((_CAP,), jnp.float32),
            pltpu.VMEM((_CAP,), jnp.float32),
            pltpu.VMEM((_CAP,), jnp.float32),
            pltpu.VMEM((_CAP,), jnp.float32),
            pltpu.VMEM((_CAP,), jnp.int32),
            pltpu.VMEM((_OUTW,), jnp.float32),
            pltpu.VMEM((_L,), jnp.float32),
        ],
    )(_sc_nms)
    outf = nms(dec_flat)

    res = outf.reshape(_MAX_OUT + 1, _L)
    boxes = res[:_MAX_OUT, 0:4]
    scores = res[:_MAX_OUT, 4]
    cls = res[:_MAX_OUT, 5].astype(jnp.int32)
    nv = res[_MAX_OUT, 0].astype(jnp.int32)
    return (boxes[None], scores[None], cls[None], nv.reshape(1))

# --- scband reference (transcript-rebuilt; emitter-appended) ---
"""Pipeline reference for scband-yolo-decoder-layer-6399501271637 (READ-ONLY COPY).

The authoritative reference and input builder live on the scoring server;
editing this copy changes nothing except your own understanding.
"""

import jax, jax.numpy as jnp
import numpy as np

NCLASSES = 80
YOLO_MAX_BOXES = 100
NMS_IOU_THRESHOLD = 0.5
NMS_SCORE_THRESHOLD = 0.0
NEG = jnp.float32(-1e10)
ANCHORS_TABLE = np.array([
    [[0.024, 0.031], [0.038, 0.072], [0.079, 0.055]],
    [[0.072, 0.147], [0.149, 0.108], [0.142, 0.286]],
    [[0.279, 0.216], [0.375, 0.476], [0.897, 0.784]],
], dtype=np.float32)


def setup_inputs(seed: int = 0) -> dict:
    key = jax.random.key(seed)
    k0, k1, k2 = jax.random.split(key, 3)
    c = 5 + NCLASSES
    return {
        "grid0": jax.random.normal(k0, (1, 10, 10, 3, c), dtype=jnp.float32),
        "grid1": jax.random.normal(k1, (1, 20, 20, 3, c), dtype=jnp.float32),
        "grid2": jax.random.normal(k2, (1, 40, 40, 3, c), dtype=jnp.float32),
    }


def arrange_bbox(xy, wh):
    gs0, gs1 = xy.shape[1], xy.shape[2]
    gx, gy = jnp.meshgrid(jnp.arange(gs1), jnp.arange(gs0))
    grid = jnp.stack([gx, gy], axis=-1)[:, :, None, :].astype(jnp.float32)
    xy = (xy + grid) / jnp.array([gs0, gs1], dtype=jnp.float32)
    xy_min = xy - wh / 2.0
    xy_max = xy + wh / 2.0
    return jnp.concatenate([xy_min, xy_max], axis=-1)


def hard_nms(boxes, scores, max_out, iou_thr, score_thr):
    # Greedy hard NMS (tf.image.non_max_suppression_with_scores with soft_nms_sigma=0),
    # padded to max_out fixed size for jax; invalid slots are zero-filled.
    areas = jnp.maximum(boxes[:, 2] - boxes[:, 0], 0.0) * jnp.maximum(boxes[:, 3] - boxes[:, 1], 0.0)
    scores = jnp.where(scores > score_thr, scores, NEG)
    sel_boxes, sel_scores, sel_idx = [], [], []
    n_valid = jnp.zeros((), jnp.int32)
    for _ in range(max_out):
        i = jnp.argmax(scores)
        sc = scores[i]
        valid = sc > NEG * 0.5
        box = boxes[i]
        x1 = jnp.maximum(box[0], boxes[:, 0])
        y1 = jnp.maximum(box[1], boxes[:, 1])
        x2 = jnp.minimum(box[2], boxes[:, 2])
        y2 = jnp.minimum(box[3], boxes[:, 3])
        inter = jnp.maximum(x2 - x1, 0.0) * jnp.maximum(y2 - y1, 0.0)
        area_i = jnp.maximum(box[2] - box[0], 0.0) * jnp.maximum(box[3] - box[1], 0.0)
        union = area_i + areas - inter
        union_safe = jnp.where(union > 0.0, union, 1.0)
        iou = jnp.where(union > 0.0, inter / union_safe, 0.0)
        suppress = iou > iou_thr
        scores = jnp.where(suppress, NEG, scores)
        scores = scores.at[i].set(NEG)
        sel_boxes.append(jnp.where(valid, box, jnp.zeros(4, jnp.float32)))
        sel_scores.append(jnp.where(valid, sc, jnp.float32(0.0)))
        sel_idx.append(jnp.where(valid, i.astype(jnp.int32), jnp.int32(-1)))
        n_valid = n_valid + valid.astype(jnp.int32)
    return jnp.stack(sel_idx), jnp.stack(sel_boxes), jnp.stack(sel_scores), n_valid


def _decode(grid0, grid1, grid2):
    grids = [grid0, grid1, grid2]
    splits = [jnp.split(g, [2, 4, 5], axis=-1) for g in grids]
    pred_xy = [s[0] for s in splits]
    pred_wh = [s[1] for s in splits]
    pred_obj = [s[2] for s in splits]
    class_probs = [s[3] for s in splits]
    b0 = arrange_bbox(pred_xy[0], jnp.exp(pred_wh[0]) * jnp.asarray(ANCHORS_TABLE[2]))
    b1 = arrange_bbox(pred_xy[1], jnp.exp(pred_wh[1]) * jnp.asarray(ANCHORS_TABLE[1]))
    b2 = arrange_bbox(pred_xy[2], jnp.exp(pred_wh[2]) * jnp.asarray(ANCHORS_TABLE[0]))
    flat = lambda y: y.reshape(y.shape[0], -1, y.shape[-1])
    bbox = jnp.concatenate([flat(b0), flat(b1), flat(b2)], axis=1)
    conf = jnp.concatenate([flat(o) for o in pred_obj], axis=1)
    cps = jnp.concatenate([flat(c) for c in class_probs], axis=1)
    cps2 = jnp.squeeze(cps, axis=0)
    class_indices = jnp.argmax(cps2, axis=-1)
    cp_max = jnp.max(cps2, axis=-1)
    # Faithful to the TF code: [1,N,1] * [N] broadcasts to [1,N,N], then squeeze + max over axis 1.
    scores = conf * cp_max
    scores = jnp.squeeze(scores, axis=0)
    scores = jnp.max(scores, axis=1)
    bbox_flat = bbox.reshape(-1, 4)
    idx, sel_boxes, sel_scores, n_valid = hard_nms(bbox_flat, scores, YOLO_MAX_BOXES, NMS_IOU_THRESHOLD, NMS_SCORE_THRESHOLD)
    sel_classes = jnp.where(idx >= 0, class_indices[jnp.maximum(idx, 0)], 0)
    return sel_boxes, sel_scores, sel_classes, idx, n_valid


def reference(grid0, grid1, grid2):
    sel_boxes, sel_scores, sel_classes, idx, n_valid = _decode(grid0, grid1, grid2)
    return (sel_boxes[None, :, :], sel_scores[None, :], sel_classes[None, :], jnp.reshape(n_valid, (1,)))

if __name__ == "__main__":
    import jax
    _d = setup_inputs()
    print(jax.jit(kernel)(*tuple(_d.values())))

</pallas_src>

<mosaic_0001>
#map = affine_map<(d0, d1) -> (0)>
module attributes {stable_mosaic.version = 14 : i64} {
  func.func @_sc_nms(%arg0: i32, %arg1: i32, %arg2: memref<38400xf32, #tpu.memory_space<hbm>>, %arg3: memref<1616xf32, #tpu.memory_space<hbm>>, %arg4: memref<6416xf32, #tpu.memory_space<vmem>>, %arg5: memref<6416xf32, #tpu.memory_space<vmem>>, %arg6: memref<6416xf32, #tpu.memory_space<vmem>>, %arg7: memref<6416xf32, #tpu.memory_space<vmem>>, %arg8: memref<6416xf32, #tpu.memory_space<vmem>>, %arg9: memref<6416xf32, #tpu.memory_space<vmem>>, %arg10: memref<6416xi32, #tpu.memory_space<vmem>>, %arg11: memref<1616xf32, #tpu.memory_space<vmem>>, %arg12: memref<16xf32, #tpu.memory_space<vmem>>) attributes {dimension_semantics = [#tpu.dimension_semantics<core_parallel>, #tpu.dimension_semantics<subcore_parallel>], iteration_bounds = array<i64: 2, 16>, scalar_prefetch = 0 : i64, scratch_operands = 9 : i64, tpu.core_type = #tpu.core_type<sc_vector_subcore>, window_params = [{transform_indices = #map}, {transform_indices = #map}]} {
    %eq3A = arith.constant 0 : i32
    %eq3A_0 = arith.cmpi eq, %arg0, %eq3A : i32
    %eq3A_1 = arith.constant 0 : i32
    %eq3A_2 = arith.cmpi eq, %arg1, %eq3A_1 : i32
    %and3A = arith.andi %eq3A_0, %eq3A_2 : i1
    %convert_element_type3A = arith.extui %and3A : i1 to i32
    %cond3A = arith.constant 0 : i32
    %cond3A_3 = arith.cmpi ne, %convert_element_type3A, %cond3A : i32
    scf.if %cond3A_3 {
      "tpu.region"() ({
        %run_scoped3A = tpu.sem_alloc : memref<!tpu.dma_semaphore, #tpu.memory_space<semaphore_mem>>
        %dma_start3A = arith.constant 0 : i32
        %dma_start3A_86 = tpu.memref_slice %arg4[%dma_start3A] : memref<6416xf32, #tpu.memory_space<vmem>> -> memref<6400xf32, #tpu.memory_space<vmem>>
        %dma_start3A_87 = arith.constant 0 : i32
        %dma_start3A_88 = tpu.memref_slice %arg2[%dma_start3A_87] : memref<38400xf32, #tpu.memory_space<hbm>> -> memref<6400xf32, #tpu.memory_space<hbm>>
        %dma_start3A_89 = arith.constant 0 : i32
        %dma_start3A_90 = tpu.memref_slice %arg4[%dma_start3A_89] : memref<6416xf32, #tpu.memory_space<vmem>> -> memref<6400xf32, #tpu.memory_space<vmem>>
        %dma_start3A_91 = arith.constant 0 : i32
        %dma_start3A_92 = tpu.memref_slice %arg2[%dma_start3A_91] : memref<38400xf32, #tpu.memory_space<hbm>> -> memref<6400xf32, #tpu.memory_space<hbm>>
        tpu.enqueue_dma source(%dma_start3A_92 : memref<6400xf32, #tpu.memory_space<hbm>>) target(%dma_start3A_90 : memref<6400xf32, #tpu.memory_space<vmem>>) target_semaphore(%run_scoped3A : memref<!tpu.dma_semaphore, #tpu.memory_space<semaphore_mem>>)
        %dma_wait3A = arith.constant 0 : i32
        %dma_wait3A_93 = tpu.memref_slice %arg4[%dma_wait3A] : memref<6416xf32, #tpu.memory_space<vmem>> -> memref<6400xf32, #tpu.memory_space<vmem>>
        %dma_wait3A_94 = arith.constant 0 : i32
        %dma_wait3A_95 = tpu.memref_slice %arg2[%dma_wait3A_94] : memref<38400xf32, #tpu.memory_space<hbm>> -> memref<6400xf32, #tpu.memory_space<hbm>>
        %dma_wait3A_96 = arith.constant 0 : i32
        %dma_wait3A_97 = tpu.memref_slice %arg4[%dma_wait3A_96] : memref<6416xf32, #tpu.memory_space<vmem>> -> memref<6400xf32, #tpu.memory_space<vmem>>
        %dma_wait3A_98 = arith.constant 0 : i32
        %dma_wait3A_99 = tpu.memref_slice %arg2[%dma_wait3A_98] : memref<38400xf32, #tpu.memory_space<hbm>> -> memref<6400xf32, #tpu.memory_space<hbm>>
        tpu.wait_dma2 semaphore(%run_scoped3A : memref<!tpu.dma_semaphore, #tpu.memory_space<semaphore_mem>>) src(%dma_wait3A_99 : memref<6400xf32, #tpu.memory_space<hbm>>) dst(%dma_wait3A_97 : memref<6400xf32, #tpu.memory_space<vmem>>)
        tpu.yield
      }) : () -> ()
      "tpu.region"() ({
        %run_scoped3A = tpu.sem_alloc : memref<!tpu.dma_semaphore, #tpu.memory_space<semaphore_mem>>
        %dma_start3A = arith.constant 0 : i32
        %dma_start3A_86 = tpu.memref_slice %arg5[%dma_start3A] : memref<6416xf32, #tpu.memory_space<vmem>> -> memref<6400xf32, #tpu.memory_space<vmem>>
        %dma_start3A_87 = arith.constant 6400 : i32
        %dma_start3A_88 = tpu.memref_slice %arg2[%dma_start3A_87] : memref<38400xf32, #tpu.memory_space<hbm>> -> memref<6400xf32, #tpu.memory_space<hbm>>
        %dma_start3A_89 = arith.constant 0 : i32
        %dma_start3A_90 = tpu.memref_slice %arg5[%dma_start3A_89] : memref<6416xf32, #tpu.memory_space<vmem>> -> memref<6400xf32, #tpu.memory_space<vmem>>
        %dma_start3A_91 = arith.constant 6400 : i32
        %dma_start3A_92 = tpu.memref_slice %arg2[%dma_start3A_91] : memref<38400xf32, #tpu.memory_space<hbm>> -> memref<6400xf32, #tpu.memory_space<hbm>>
        tpu.enqueue_dma source(%dma_start3A_92 : memref<6400xf32, #tpu.memory_space<hbm>>) target(%dma_start3A_90 : memref<6400xf32, #tpu.memory_space<vmem>>) target_semaphore(%run_scoped3A : memref<!tpu.dma_semaphore, #tpu.memory_space<semaphore_mem>>)
        %dma_wait3A = arith.constant 0 : i32
        %dma_wait3A_93 = tpu.memref_slice %arg5[%dma_wait3A] : memref<6416xf32, #tpu.memory_space<vmem>> -> memref<6400xf32, #tpu.memory_space<vmem>>
        %dma_wait3A_94 = arith.constant 6400 : i32
        %dma_wait3A_95 = tpu.memref_slice %arg2[%dma_wait3A_94] : memref<38400xf32, #tpu.memory_space<hbm>> -> memref<6400xf32, #tpu.memory_space<hbm>>
        %dma_wait3A_96 = arith.constant 0 : i32
        %dma_wait3A_97 = tpu.memref_slice %arg5[%dma_wait3A_96] : memref<6416xf32, #tpu.memory_space<vmem>> -> memref<6400xf32, #tpu.memory_space<vmem>>
        %dma_wait3A_98 = arith.constant 6400 : i32
        %dma_wait3A_99 = tpu.memref_slice %arg2[%dma_wait3A_98] : memref<38400xf32, #tpu.memory_space<hbm>> -> memref<6400xf32, #tpu.memory_space<hbm>>
        tpu.wait_dma2 semaphore(%run_scoped3A : memref<!tpu.dma_semaphore, #tpu.memory_space<semaphore_mem>>) src(%dma_wait3A_99 : memref<6400xf32, #tpu.memory_space<hbm>>) dst(%dma_wait3A_97 : memref<6400xf32, #tpu.memory_space<vmem>>)
        tpu.yield
      }) : () -> ()
      "tpu.region"() ({
        %run_scoped3A = tpu.sem_alloc : memref<!tpu.dma_semaphore, #tpu.memory_space<semaphore_mem>>
        %dma_start3A = arith.constant 0 : i32
        %dma_start3A_86 = tpu.memref_slice %arg6[%dma_start3A] : memref<6416xf32, #tpu.memory_space<vmem>> -> memref<6400xf32, #tpu.memory_space<vmem>>
        %dma_start3A_87 = arith.constant 12800 : i32
        %dma_start3A_88 = tpu.memref_slice %arg2[%dma_start3A_87] : memref<38400xf32, #tpu.memory_space<hbm>> -> memref<6400xf32, #tpu.memory_space<hbm>>
        %dma_start3A_89 = arith.constant 0 : i32
        %dma_start3A_90 = tpu.memref_slice %arg6[%dma_start3A_89] : memref<6416xf32, #tpu.memory_space<vmem>> -> memref<6400xf32, #tpu.memory_space<vmem>>
        %dma_start3A_91 = arith.constant 12800 : i32
        %dma_start3A_92 = tpu.memref_slice %arg2[%dma_start3A_91] : memref<38400xf32, #tpu.memory_space<hbm>> -> memref<6400xf32, #tpu.memory_space<hbm>>
        tpu.enqueue_dma source(%dma_start3A_92 : memref<6400xf32, #tpu.memory_space<hbm>>) target(%dma_start3A_90 : memref<6400xf32, #tpu.memory_space<vmem>>) target_semaphore(%run_scoped3A : memref<!tpu.dma_semaphore, #tpu.memory_space<semaphore_mem>>)
        %dma_wait3A = arith.constant 0 : i32
        %dma_wait3A_93 = tpu.memref_slice %arg6[%dma_wait3A] : memref<6416xf32, #tpu.memory_space<vmem>> -> memref<6400xf32, #tpu.memory_space<vmem>>
        %dma_wait3A_94 = arith.constant 12800 : i32
        %dma_wait3A_95 = tpu.memref_slice %arg2[%dma_wait3A_94] : memref<38400xf32, #tpu.memory_space<hbm>> -> memref<6400xf32, #tpu.memory_space<hbm>>
        %dma_wait3A_96 = arith.constant 0 : i32
        %dma_wait3A_97 = tpu.memref_slice %arg6[%dma_wait3A_96] : memref<6416xf32, #tpu.memory_space<vmem>> -> memref<6400xf32, #tpu.memory_space<vmem>>
        %dma_wait3A_98 = arith.constant 12800 : i32
        %dma_wait3A_99 = tpu.memref_slice %arg2[%dma_wait3A_98] : memref<38400xf32, #tpu.memory_space<hbm>> -> memref<6400xf32, #tpu.memory_space<hbm>>
        tpu.wait_dma2 semaphore(%run_scoped3A : memref<!tpu.dma_semaphore, #tpu.memory_space<semaphore_mem>>) src(%dma_wait3A_99 : memref<6400xf32, #tpu.memory_space<hbm>>) dst(%dma_wait3A_97 : memref<6400xf32, #tpu.memory_space<vmem>>)
        tpu.yield
      }) : () -> ()
      "tpu.region"() ({
        %run_scoped3A = tpu.sem_alloc : memref<!tpu.dma_semaphore, #tpu.memory_space<semaphore_mem>>
        %dma_start3A = arith.constant 0 : i32
        %dma_start3A_86 = tpu.memref_slice %arg7[%dma_start3A] : memref<6416xf32, #tpu.memory_space<vmem>> -> memref<6400xf32, #tpu.memory_space<vmem>>
        %dma_start3A_87 = arith.constant 19200 : i32
        %dma_start3A_88 = tpu.memref_slice %arg2[%dma_start3A_87] : memref<38400xf32, #tpu.memory_space<hbm>> -> memref<6400xf32, #tpu.memory_space<hbm>>
        %dma_start3A_89 = arith.constant 0 : i32
        %dma_start3A_90 = tpu.memref_slice %arg7[%dma_start3A_89] : memref<6416xf32, #tpu.memory_space<vmem>> -> memref<6400xf32, #tpu.memory_space<vmem>>
        %dma_start3A_91 = arith.constant 19200 : i32
        %dma_start3A_92 = tpu.memref_slice %arg2[%dma_start3A_91] : memref<38400xf32, #tpu.memory_space<hbm>> -> memref<6400xf32, #tpu.memory_space<hbm>>
        tpu.enqueue_dma source(%dma_start3A_92 : memref<6400xf32, #tpu.memory_space<hbm>>) target(%dma_start3A_90 : memref<6400xf32, #tpu.memory_space<vmem>>) target_semaphore(%run_scoped3A : memref<!tpu.dma_semaphore, #tpu.memory_space<semaphore_mem>>)
        %dma_wait3A = arith.constant 0 : i32
        %dma_wait3A_93 = tpu.memref_slice %arg7[%dma_wait3A] : memref<6416xf32, #tpu.memory_space<vmem>> -> memref<6400xf32, #tpu.memory_space<vmem>>
        %dma_wait3A_94 = arith.constant 19200 : i32
        %dma_wait3A_95 = tpu.memref_slice %arg2[%dma_wait3A_94] : memref<38400xf32, #tpu.memory_space<hbm>> -> memref<6400xf32, #tpu.memory_space<hbm>>
        %dma_wait3A_96 = arith.constant 0 : i32
        %dma_wait3A_97 = tpu.memref_slice %arg7[%dma_wait3A_96] : memref<6416xf32, #tpu.memory_space<vmem>> -> memref<6400xf32, #tpu.memory_space<vmem>>
        %dma_wait3A_98 = arith.constant 19200 : i32
        %dma_wait3A_99 = tpu.memref_slice %arg2[%dma_wait3A_98] : memref<38400xf32, #tpu.memory_space<hbm>> -> memref<6400xf32, #tpu.memory_space<hbm>>
        tpu.wait_dma2 semaphore(%run_scoped3A : memref<!tpu.dma_semaphore, #tpu.memory_space<semaphore_mem>>) src(%dma_wait3A_99 : memref<6400xf32, #tpu.memory_space<hbm>>) dst(%dma_wait3A_97 : memref<6400xf32, #tpu.memory_space<vmem>>)
        tpu.yield
      }) : () -> ()
      "tpu.region"() ({
        %run_scoped3A = tpu.sem_alloc : memref<!tpu.dma_semaphore, #tpu.memory_space<semaphore_mem>>
        %dma_start3A = arith.constant 0 : i32
        %dma_start3A_86 = tpu.memref_slice %arg8[%dma_start3A] : memref<6416xf32, #tpu.memory_space<vmem>> -> memref<6400xf32, #tpu.memory_space<vmem>>
        %dma_start3A_87 = arith.constant 25600 : i32
        %dma_start3A_88 = tpu.memref_slice %arg2[%dma_start3A_87] : memref<38400xf32, #tpu.memory_space<hbm>> -> memref<6400xf32, #tpu.memory_space<hbm>>
        %dma_start3A_89 = arith.constant 0 : i32
        %dma_start3A_90 = tpu.memref_slice %arg8[%dma_start3A_89] : memref<6416xf32, #tpu.memory_space<vmem>> -> memref<6400xf32, #tpu.memory_space<vmem>>
        %dma_start3A_91 = arith.constant 25600 : i32
        %dma_start3A_92 = tpu.memref_slice %arg2[%dma_start3A_91] : memref<38400xf32, #tpu.memory_space<hbm>> -> memref<6400xf32, #tpu.memory_space<hbm>>
        tpu.enqueue_dma source(%dma_start3A_92 : memref<6400xf32, #tpu.memory_space<hbm>>) target(%dma_start3A_90 : memref<6400xf32, #tpu.memory_space<vmem>>) target_semaphore(%run_scoped3A : memref<!tpu.dma_semaphore, #tpu.memory_space<semaphore_mem>>)
        %dma_wait3A = arith.constant 0 : i32
        %dma_wait3A_93 = tpu.memref_slice %arg8[%dma_wait3A] : memref<6416xf32, #tpu.memory_space<vmem>> -> memref<6400xf32, #tpu.memory_space<vmem>>
        %dma_wait3A_94 = arith.constant 25600 : i32
        %dma_wait3A_95 = tpu.memref_slice %arg2[%dma_wait3A_94] : memref<38400xf32, #tpu.memory_space<hbm>> -> memref<6400xf32, #tpu.memory_space<hbm>>
        %dma_wait3A_96 = arith.constant 0 : i32
        %dma_wait3A_97 = tpu.memref_slice %arg8[%dma_wait3A_96] : memref<6416xf32, #tpu.memory_space<vmem>> -> memref<6400xf32, #tpu.memory_space<vmem>>
        %dma_wait3A_98 = arith.constant 25600 : i32
        %dma_wait3A_99 = tpu.memref_slice %arg2[%dma_wait3A_98] : memref<38400xf32, #tpu.memory_space<hbm>> -> memref<6400xf32, #tpu.memory_space<hbm>>
        tpu.wait_dma2 semaphore(%run_scoped3A : memref<!tpu.dma_semaphore, #tpu.memory_space<semaphore_mem>>) src(%dma_wait3A_99 : memref<6400xf32, #tpu.memory_space<hbm>>) dst(%dma_wait3A_97 : memref<6400xf32, #tpu.memory_space<vmem>>)
        tpu.yield
      }) : () -> ()
      "tpu.region"() ({
        %run_scoped3A = tpu.sem_alloc : memref<!tpu.dma_semaphore, #tpu.memory_space<semaphore_mem>>
        %dma_start3A = arith.constant 0 : i32
        %dma_start3A_86 = tpu.memref_slice %arg9[%dma_start3A] : memref<6416xf32, #tpu.memory_space<vmem>> -> memref<6400xf32, #tpu.memory_space<vmem>>
        %dma_start3A_87 = arith.constant 32000 : i32
        %dma_start3A_88 = tpu.memref_slice %arg2[%dma_start3A_87] : memref<38400xf32, #tpu.memory_space<hbm>> -> memref<6400xf32, #tpu.memory_space<hbm>>
        %dma_start3A_89 = arith.constant 0 : i32
        %dma_start3A_90 = tpu.memref_slice %arg9[%dma_start3A_89] : memref<6416xf32, #tpu.memory_space<vmem>> -> memref<6400xf32, #tpu.memory_space<vmem>>
        %dma_start3A_91 = arith.constant 32000 : i32
        %dma_start3A_92 = tpu.memref_slice %arg2[%dma_start3A_91] : memref<38400xf32, #tpu.memory_space<hbm>> -> memref<6400xf32, #tpu.memory_space<hbm>>
        tpu.enqueue_dma source(%dma_start3A_92 : memref<6400xf32, #tpu.memory_space<hbm>>) target(%dma_start3A_90 : memref<6400xf32, #tpu.memory_space<vmem>>) target_semaphore(%run_scoped3A : memref<!tpu.dma_semaphore, #tpu.memory_space<semaphore_mem>>)
        %dma_wait3A = arith.constant 0 : i32
        %dma_wait3A_93 = tpu.memref_slice %arg9[%dma_wait3A] : memref<6416xf32, #tpu.memory_space<vmem>> -> memref<6400xf32, #tpu.memory_space<vmem>>
        %dma_wait3A_94 = arith.constant 32000 : i32
        %dma_wait3A_95 = tpu.memref_slice %arg2[%dma_wait3A_94] : memref<38400xf32, #tpu.memory_space<hbm>> -> memref<6400xf32, #tpu.memory_space<hbm>>
        %dma_wait3A_96 = arith.constant 0 : i32
        %dma_wait3A_97 = tpu.memref_slice %arg9[%dma_wait3A_96] : memref<6416xf32, #tpu.memory_space<vmem>> -> memref<6400xf32, #tpu.memory_space<vmem>>
        %dma_wait3A_98 = arith.constant 32000 : i32
        %dma_wait3A_99 = tpu.memref_slice %arg2[%dma_wait3A_98] : memref<38400xf32, #tpu.memory_space<hbm>> -> memref<6400xf32, #tpu.memory_space<hbm>>
        tpu.wait_dma2 semaphore(%run_scoped3A : memref<!tpu.dma_semaphore, #tpu.memory_space<semaphore_mem>>) src(%dma_wait3A_99 : memref<6400xf32, #tpu.memory_space<hbm>>) dst(%dma_wait3A_97 : memref<6400xf32, #tpu.memory_space<vmem>>)
        tpu.yield
      }) : () -> ()
      %iota3A = tpu.iota {dimensions = array<i32: 0>} : vector<16xi32>
      %scan3A = arith.constant -5.000000e+09 : f32
      %scan3A_4 = arith.constant 0 : i32
      %scan3A_5 = arith.constant 0 : i32
      %scan3A_6 = arith.constant 400 : i32
      %scan3A_7 = arith.addi %scan3A_5, %scan3A_6 : i32
      %scan3A_8 = arith.constant 1 : i32
      %scan3A_9 = scf.for %scan3A_86 = %scan3A_5 to %scan3A_7 step %scan3A_8 iter_args(%scan3A_87 = %scan3A_4) -> (i32)  : i32 {
        %mul3A_88 = arith.constant 16 : i32
        %mul3A_89 = arith.muli %scan3A_86, %mul3A_88 : i32
        %get3A_90 = arith.index_cast %mul3A_89 : i32 to index
        %get3A_91 = tpu.vector_load %arg9[%get3A_90] {strides = array<i32>} : memref<6416xf32, #tpu.memory_space<vmem>>, vector<16xf32>,
        %gt3A = vector.broadcast %scan3A : f32 to vector<16xf32>
        %gt3A_92 = arith.cmpf ogt, %get3A_91, %gt3A : vector<16xf32>
        %jit3A_93 = arith.constant 1 : i32
        %jit3A_94 = arith.constant 0 : i32
        %broadcast_in_dim3A_95 = vector.broadcast %jit3A_93 : i32 to vector<16xi32>
        %broadcast_in_dim3A_96 = vector.broadcast %jit3A_94 : i32 to vector<16xi32>
        %select_n3A_97 = arith.select %gt3A_92, %broadcast_in_dim3A_95, %broadcast_in_dim3A_96 : vector<16xi1>, vector<16xi32>
        %broadcast_in_dim3A_98 = arith.constant true
        %broadcast_in_dim3A_99 = vector.broadcast %broadcast_in_dim3A_98 : i1 to vector<16xi1>
        %masked_cumsum3A = tpu.scan <sum>, %select_n3A_97 masked %broadcast_in_dim3A_99 : vector<16xi32>, vector<16xi1> -> vector<16xi32>
        %sub3A_100 = arith.constant 1 : i32
        %sub3A_101 = arith.subi %scan3A_87, %sub3A_100 : i32
        %add3A_102 = vector.broadcast %sub3A_101 : i32 to vector<16xi32>
        %add3A_103 = arith.addi %add3A_102, %masked_cumsum3A : vector<16xi32>
        tpu.vector_store_idx %arg9[%add3A_103], %get3A_91 masked %gt3A_92 : memref<6416xf32, #tpu.memory_space<vmem>>[vector<16xi32>], vector<16xf32>, vector<16xi1>
        %get3A_104 = arith.index_cast %mul3A_89 : i32 to index
        %get3A_105 = tpu.vector_load %arg4[%get3A_104] {strides = array<i32>} : memref<6416xf32, #tpu.memory_space<vmem>>, vector<16xf32>,
        tpu.vector_store_idx %arg4[%add3A_103], %get3A_105 masked %gt3A_92 : memref<6416xf32, #tpu.memory_space<vmem>>[vector<16xi32>], vector<16xf32>, vector<16xi1>
        %get3A_106 = arith.index_cast %mul3A_89 : i32 to index
        %get3A_107 = tpu.vector_load %arg5[%get3A_106] {strides = array<i32>} : memref<6416xf32, #tpu.memory_space<vmem>>, vector<16xf32>,
        tpu.vector_store_idx %arg5[%add3A_103], %get3A_107 masked %gt3A_92 : memref<6416xf32, #tpu.memory_space<vmem>>[vector<16xi32>], vector<16xf32>, vector<16xi1>
        %get3A_108 = arith.index_cast %mul3A_89 : i32 to index
        %get3A_109 = tpu.vector_load %arg6[%get3A_108] {strides = array<i32>} : memref<6416xf32, #tpu.memory_space<vmem>>, vector<16xf32>,
        tpu.vector_store_idx %arg6[%add3A_103], %get3A_109 masked %gt3A_92 : memref<6416xf32, #tpu.memory_space<vmem>>[vector<16xi32>], vector<16xf32>, vector<16xi1>
        %get3A_110 = arith.index_cast %mul3A_89 : i32 to index
        %get3A_111 = tpu.vector_load %arg7[%get3A_110] {strides = array<i32>} : memref<6416xf32, #tpu.memory_space<vmem>>, vector<16xf32>,
        tpu.vector_store_idx %arg7[%add3A_103], %get3A_111 masked %gt3A_92 : memref<6416xf32, #tpu.memory_space<vmem>>[vector<16xi32>], vector<16xf32>, vector<16xi1>
        %get3A_112 = arith.index_cast %mul3A_89 : i32 to index
        %get3A_113 = tpu.vector_load %arg8[%get3A_112] {strides = array<i32>} : memref<6416xf32, #tpu.memory_space<vmem>>, vector<16xf32>,
        tpu.vector_store_idx %arg8[%add3A_103], %get3A_113 masked %gt3A_92 : memref<6416xf32, #tpu.memory_space<vmem>>[vector<16xi32>], vector<16xf32>, vector<16xi1>
        %mul3A_114 = arith.constant 16 : i32
        %mul3A_115 = arith.muli %scan3A_86, %mul3A_114 : i32
        %add3A_116 = vector.broadcast %mul3A_115 : i32 to vector<16xi32>
        %add3A_117 = arith.addi %iota3A, %add3A_116 : vector<16xi32>
        tpu.vector_store_idx %arg10[%add3A_103], %add3A_117 masked %gt3A_92 : memref<6416xi32, #tpu.memory_space<vmem>>[vector<16xi32>], vector<16xi32>, vector<16xi1>
        %slice3A = vector.extract_strided_slice %masked_cumsum3A {offsets = [15], sizes = [1], strides = [1]} : vector<16xi32> to vector<1xi32>
        %squeeze3A = vector.extract %slice3A[0] : i32 from vector<1xi32>
        %add3A_118 = arith.addi %scan3A_87, %squeeze3A : i32
        scf.yield %add3A_118 : i32
      }
      %scan3A_10 = arith.constant 400 : i32
      %jit3A = arith.constant 16 : i32
      %div3A = arith.divsi %scan3A_9, %jit3A : i32
      %sign3A = arith.constant 0 : i32
      %sign3A_11 = arith.cmpi sgt, %scan3A_9, %sign3A : i32
      %sign3A_12 = arith.extui %sign3A_11 : i1 to i32
      %sign3A_13 = arith.constant 0 : i32
      %sign3A_14 = arith.cmpi slt, %scan3A_9, %sign3A_13 : i32
      %sign3A_15 = arith.extui %sign3A_14 : i1 to i32
      %sign3A_16 = arith.subi %sign3A_12, %sign3A_15 : i32
      %sign3A_17 = arith.constant 0 : i32
      %sign3A_18 = arith.cmpi sgt, %jit3A, %sign3A_17 : i32
      %sign3A_19 = arith.extui %sign3A_18 : i1 to i32
      %sign3A_20 = arith.constant 0 : i32
      %sign3A_21 = arith.cmpi slt, %jit3A, %sign3A_20 : i32
      %sign3A_22 = arith.extui %sign3A_21 : i1 to i32
      %sign3A_23 = arith.subi %sign3A_19, %sign3A_22 : i32
      %ne3A = arith.cmpi ne, %sign3A_16, %sign3A_23 : i32
      %rem3A = arith.remsi %scan3A_9, %jit3A : i32
      %ne3A_24 = arith.constant 0 : i32
      %ne3A_25 = arith.cmpi ne, %rem3A, %ne3A_24 : i32
      %and3A_26 = arith.andi %ne3A, %ne3A_25 : i1
      %sub3A = arith.constant 1 : i32
      %sub3A_27 = arith.subi %div3A, %sub3A : i32
      %select_n3A = arith.select %and3A_26, %sub3A_27, %div3A : i32
      %mul3A = arith.constant 16 : i32
      %mul3A_28 = arith.muli %select_n3A, %mul3A : i32
      %sub3A_29 = arith.subi %scan3A_9, %mul3A_28 : i32
      %ge3A = vector.broadcast %sub3A_29 : i32 to vector<16xi32>
      %ge3A_30 = arith.cmpi sge, %iota3A, %ge3A : vector<16xi32>
      %get3A = arith.index_cast %mul3A_28 : i32 to index
      %get3A_31 = tpu.vector_load %arg9[%get3A] {strides = array<i32>} : memref<6416xf32, #tpu.memory_space<vmem>>, vector<16xf32>,
      %jit3A_32 = arith.constant -1.000000e+10 : f32
      %broadcast_in_dim3A = vector.broadcast %jit3A_32 : f32 to vector<16xf32>
      %select_n3A_33 = arith.select %ge3A_30, %broadcast_in_dim3A, %get3A_31 : vector<16xi1>, vector<16xf32>
      %swap3A = arith.index_cast %mul3A_28 : i32 to index
      %swap3A_34 = tpu.vector_load %arg9[%swap3A] {strides = array<i32>} : memref<6416xf32, #tpu.memory_space<vmem>>, vector<16xf32>,
      tpu.vector_store %arg9[%swap3A], %select_n3A_33 {strides = array<i32>} : memref<6416xf32, #tpu.memory_space<vmem>>, vector<16xf32>,
      %get3A_35 = arith.index_cast %mul3A_28 : i32 to index
      %get3A_36 = tpu.vector_load %arg10[%get3A_35] {strides = array<i32>} : memref<6416xi32, #tpu.memory_space<vmem>>, vector<16xi32>,
      %jit3A_37 = arith.constant 0 : i32
      %broadcast_in_dim3A_38 = vector.broadcast %jit3A_37 : i32 to vector<16xi32>
      %select_n3A_39 = arith.select %ge3A_30, %broadcast_in_dim3A_38, %get3A_36 : vector<16xi1>, vector<16xi32>
      %swap3A_40 = arith.index_cast %mul3A_28 : i32 to index
      %swap3A_41 = tpu.vector_load %arg10[%swap3A_40] {strides = array<i32>} : memref<6416xi32, #tpu.memory_space<vmem>>, vector<16xi32>,
      tpu.vector_store %arg10[%swap3A_40], %select_n3A_39 {strides = array<i32>} : memref<6416xi32, #tpu.memory_space<vmem>>, vector<16xi32>,
      %add3A = arith.constant 15 : i32
      %add3A_42 = arith.addi %scan3A_9, %add3A : i32
      %jit3A_43 = arith.constant 16 : i32
      %div3A_44 = arith.divsi %add3A_42, %jit3A_43 : i32
      %sign3A_45 = arith.constant 0 : i32
      %sign3A_46 = arith.cmpi sgt, %add3A_42, %sign3A_45 : i32
      %sign3A_47 = arith.extui %sign3A_46 : i1 to i32
      %sign3A_48 = arith.constant 0 : i32
      %sign3A_49 = arith.cmpi slt, %add3A_42, %sign3A_48 : i32
      %sign3A_50 = arith.extui %sign3A_49 : i1 to i32
      %sign3A_51 = arith.subi %sign3A_47, %sign3A_50 : i32
      %sign3A_52 = arith.constant 0 : i32
      %sign3A_53 = arith.cmpi sgt, %jit3A_43, %sign3A_52 : i32
      %sign3A_54 = arith.extui %sign3A_53 : i1 to i32
      %sign3A_55 = arith.constant 0 : i32
      %sign3A_56 = arith.cmpi slt, %jit3A_43, %sign3A_55 : i32
      %sign3A_57 = arith.extui %sign3A_56 : i1 to i32
      %sign3A_58 = arith.subi %sign3A_54, %sign3A_57 : i32
      %ne3A_59 = arith.cmpi ne, %sign3A_51, %sign3A_58 : i32
      %rem3A_60 = arith.remsi %add3A_42, %jit3A_43 : i32
      %ne3A_61 = arith.constant 0 : i32
      %ne3A_62 = arith.cmpi ne, %rem3A_60, %ne3A_61 : i32
      %and3A_63 = arith.andi %ne3A_59, %ne3A_62 : i1
      %sub3A_64 = arith.constant 1 : i32
      %sub3A_65 = arith.subi %div3A_44, %sub3A_64 : i32
      %select_n3A_66 = arith.select %and3A_63, %sub3A_65, %div3A_44 : i32
      %broadcast_in_dim3A_67 = arith.constant 0.000000e+00 : f32
      %broadcast_in_dim3A_68 = vector.broadcast %broadcast_in_dim3A_67 : f32 to vector<16xf32>
      %broadcast_in_dim3A_69 = arith.constant -1 : i32
      %broadcast_in_dim3A_70 = vector.broadcast %broadcast_in_dim3A_69 : i32 to vector<16xi32>
      %scan3A_71 = arith.constant -1.000000e+10 : f32
      %scan3A_72 = arith.constant 0 : i32
      %scan3A_73 = arith.constant 100 : i32
      %scan3A_74 = arith.addi %scan3A_72, %scan3A_73 : i32
      %scan3A_75 = arith.constant 1 : i32
      %scan3A_76:7 = scf.for %scan3A_86 = %scan3A_72 to %scan3A_74 step %scan3A_75 iter_args(%scan3A_87 = %broadcast_in_dim3A_68, %scan3A_88 = %broadcast_in_dim3A_68, %scan3A_89 = %broadcast_in_dim3A_68, %scan3A_90 = %broadcast_in_dim3A_68, %scan3A_91 = %broadcast_in_dim3A_68, %scan3A_92 = %broadcast_in_dim3A_70, %scan3A_93 = %broadcast_in_dim3A_68) -> (vector<16xf32>, vector<16xf32>, vector<16xf32>, vector<16xf32>, vector<16xf32>, vector<16xi32>, vector<16xf32>)  : i32 {
        %broadcast_in_dim3A_94 = arith.constant -3.000000e+38 : f32
        %broadcast_in_dim3A_95 = vector.broadcast %broadcast_in_dim3A_94 : f32 to vector<16xf32>
        %broadcast_in_dim3A_96 = arith.constant 0 : i32
        %broadcast_in_dim3A_97 = vector.broadcast %broadcast_in_dim3A_96 : i32 to vector<16xi32>
        %while3A = arith.constant 0 : i32
        %while3A_98 = arith.subi %select_n3A_66, %while3A : i32
        %while3A_99 = arith.addi %while3A, %while3A_98 : i32
        %while3A_100 = arith.constant 1 : i32
        %while3A_101 = arith.divsi %while3A_98, %while3A_100 : i32
        %while3A_102 = arith.muli %while3A_101, %while3A_100 : i32
        %while3A_103 = arith.addi %while3A, %while3A_102 : i32
        %while3A_104 = arith.constant 1 : i32
        %while3A_105:3 = scf.for %while3A_273 = %while3A to %while3A_103 step %while3A_104 iter_args(%while3A_274 = %broadcast_in_dim3A_95, %while3A_275 = %broadcast_in_dim3A_97, %while3A_276 = %broadcast_in_dim3A_97) -> (vector<16xf32>, vector<16xi32>, vector<16xi32>)  : i32 {
          %mul3A_277 = arith.constant 16 : i32
          %mul3A_278 = arith.muli %while3A_273, %mul3A_277 : i32
          %get3A_279 = arith.index_cast %mul3A_278 : i32 to index
          %get3A_280 = tpu.vector_load %arg9[%get3A_279] {strides = array<i32>} : memref<6416xf32, #tpu.memory_space<vmem>>, vector<16xf32>,
          %get3A_281 = arith.index_cast %mul3A_278 : i32 to index
          %get3A_282 = tpu.vector_load %arg4[%get3A_281] {strides = array<i32>} : memref<6416xf32, #tpu.memory_space<vmem>>, vector<16xf32>,
          %get3A_283 = arith.index_cast %mul3A_278 : i32 to index
          %get3A_284 = tpu.vector_load %arg5[%get3A_283] {strides = array<i32>} : memref<6416xf32, #tpu.memory_space<vmem>>, vector<16xf32>,
          %get3A_285 = arith.index_cast %mul3A_278 : i32 to index
          %get3A_286 = tpu.vector_load %arg6[%get3A_285] {strides = array<i32>} : memref<6416xf32, #tpu.memory_space<vmem>>, vector<16xf32>,
          %get3A_287 = arith.index_cast %mul3A_278 : i32 to index
          %get3A_288 = tpu.vector_load %arg7[%get3A_287] {strides = array<i32>} : memref<6416xf32, #tpu.memory_space<vmem>>, vector<16xf32>,
          %sub3A_289 = arith.subf %get3A_286, %get3A_282 : vector<16xf32>
          %max3A_290 = arith.constant 0.000000e+00 : f32
          %max3A_291 = vector.broadcast %max3A_290 : f32 to vector<16xf32>
          %max3A_292 = arith.maximumf %sub3A_289, %max3A_291 : vector<16xf32>
          %sub3A_293 = arith.subf %get3A_288, %get3A_284 : vector<16xf32>
          %max3A_294 = arith.constant 0.000000e+00 : f32
          %max3A_295 = vector.broadcast %max3A_294 : f32 to vector<16xf32>
          %max3A_296 = arith.maximumf %sub3A_293, %max3A_295 : vector<16xf32>
          %mul3A_297 = arith.mulf %max3A_292, %max3A_296 : vector<16xf32>
          %get3A_298 = arith.index_cast %mul3A_278 : i32 to index
          %get3A_299 = tpu.vector_load %arg10[%get3A_298] {strides = array<i32>} : memref<6416xi32, #tpu.memory_space<vmem>>, vector<16xi32>,
          %mul3A_300 = arith.constant 16 : i32
          %mul3A_301 = arith.muli %while3A_273, %mul3A_300 : i32
          %add3A_302 = vector.broadcast %mul3A_301 : i32 to vector<16xi32>
          %add3A_303 = arith.addi %iota3A, %add3A_302 : vector<16xi32>
          %max3A_304 = arith.maximumf %scan3A_87, %get3A_282 : vector<16xf32>
          %max3A_305 = arith.maximumf %scan3A_88, %get3A_284 : vector<16xf32>
          %min3A = arith.minimumf %scan3A_89, %get3A_286 : vector<16xf32>
          %min3A_306 = arith.minimumf %scan3A_90, %get3A_288 : vector<16xf32>
          %sub3A_307 = arith.subf %min3A, %max3A_304 : vector<16xf32>
          %max3A_308 = arith.constant 0.000000e+00 : f32
          %max3A_309 = vector.broadcast %max3A_308 : f32 to vector<16xf32>
          %max3A_310 = arith.maximumf %sub3A_307, %max3A_309 : vector<16xf32>
          %sub3A_311 = arith.subf %min3A_306, %max3A_305 : vector<16xf32>
          %max3A_312 = arith.constant 0.000000e+00 : f32
          %max3A_313 = vector.broadcast %max3A_312 : f32 to vector<16xf32>
          %max3A_314 = arith.maximumf %sub3A_311, %max3A_313 : vector<16xf32>
          %mul3A_315 = arith.mulf %max3A_310, %max3A_314 : vector<16xf32>
          %add3A_316 = arith.addf %scan3A_91, %mul3A_297 : vector<16xf32>
          %sub3A_317 = arith.subf %add3A_316, %mul3A_315 : vector<16xf32>
          %gt3A_318 = arith.constant 0.000000e+00 : f32
          %gt3A_319 = vector.broadcast %gt3A_318 : f32 to vector<16xf32>
          %gt3A_320 = arith.cmpf ogt, %sub3A_317, %gt3A_319 : vector<16xf32>
          %jit3A_321 = arith.constant 1.000000e+00 : f32
          %broadcast_in_dim3A_322 = vector.broadcast %jit3A_321 : f32 to vector<16xf32>
          %select_n3A_323 = arith.select %gt3A_320, %sub3A_317, %broadcast_in_dim3A_322 : vector<16xi1>, vector<16xf32>
          %div3A_324 = arith.divf %mul3A_315, %select_n3A_323 : vector<16xf32>
          %jit3A_325 = arith.constant 0.000000e+00 : f32
          %broadcast_in_dim3A_326 = vector.broadcast %jit3A_325 : f32 to vector<16xf32>
          %select_n3A_327 = arith.select %gt3A_320, %div3A_324, %broadcast_in_dim3A_326 : vector<16xi1>, vector<16xf32>
          %gt3A_328 = arith.constant 5.000000e-01 : f32
          %gt3A_329 = vector.broadcast %gt3A_328 : f32 to vector<16xf32>
          %gt3A_330 = arith.cmpf ogt, %select_n3A_327, %gt3A_329 : vector<16xf32>
          %eq3A_331 = arith.cmpi eq, %get3A_299, %scan3A_92 : vector<16xi32>
          %or3A = arith.ori %gt3A_330, %eq3A_331 : vector<16xi1>
          %broadcast_in_dim3A_332 = vector.broadcast %scan3A_71 : f32 to vector<16xf32>
          %select_n3A_333 = arith.select %or3A, %broadcast_in_dim3A_332, %get3A_280 : vector<16xi1>, vector<16xf32>
          %swap3A_334 = arith.index_cast %mul3A_278 : i32 to index
          %swap3A_335 = tpu.vector_load %arg9[%swap3A_334] {strides = array<i32>} : memref<6416xf32, #tpu.memory_space<vmem>>, vector<16xf32>,
          tpu.vector_store %arg9[%swap3A_334], %select_n3A_333 {strides = array<i32>} : memref<6416xf32, #tpu.memory_space<vmem>>, vector<16xf32>,
          %gt3A_336 = arith.cmpf ogt, %select_n3A_333, %while3A_274 : vector<16xf32>
          %select_n3A_337 = arith.select %gt3A_336, %select_n3A_333, %while3A_274 : vector<16xi1>, vector<16xf32>
          %select_n3A_338 = arith.select %gt3A_336, %get3A_299, %while3A_275 : vector<16xi1>, vector<16xi32>
          %select_n3A_339 = arith.select %gt3A_336, %add3A_303, %while3A_276 : vector<16xi1>, vector<16xi32>
          scf.yield %select_n3A_337, %select_n3A_338, %select_n3A_339 : vector<16xf32>, vector<16xi32>, vector<16xi32>
        }
        %while3A_106 = arith.constant 1 : i32
        %while3A_107:3 = scf.for %while3A_273 = %while3A_103 to %while3A_99 step %while3A_106 iter_args(%while3A_274 = %while3A_105#0, %while3A_275 = %while3A_105#1, %while3A_276 = %while3A_105#2) -> (vector<16xf32>, vector<16xi32>, vector<16xi32>)  : i32 {
          %mul3A_277 = arith.constant 16 : i32
          %mul3A_278 = arith.muli %while3A_273, %mul3A_277 : i32
          %get3A_279 = arith.index_cast %mul3A_278 : i32 to index
          %get3A_280 = tpu.vector_load %arg9[%get3A_279] {strides = array<i32>} : memref<6416xf32, #tpu.memory_space<vmem>>, vector<16xf32>,
          %get3A_281 = arith.index_cast %mul3A_278 : i32 to index
          %get3A_282 = tpu.vector_load %arg4[%get3A_281] {strides = array<i32>} : memref<6416xf32, #tpu.memory_space<vmem>>, vector<16xf32>,
          %get3A_283 = arith.index_cast %mul3A_278 : i32 to index
          %get3A_284 = tpu.vector_load %arg5[%get3A_283] {strides = array<i32>} : memref<6416xf32, #tpu.memory_space<vmem>>, vector<16xf32>,
          %get3A_285 = arith.index_cast %mul3A_278 : i32 to index
          %get3A_286 = tpu.vector_load %arg6[%get3A_285] {strides = array<i32>} : memref<6416xf32, #tpu.memory_space<vmem>>, vector<16xf32>,
          %get3A_287 = arith.index_cast %mul3A_278 : i32 to index
          %get3A_288 = tpu.vector_load %arg7[%get3A_287] {strides = array<i32>} : memref<6416xf32, #tpu.memory_space<vmem>>, vector<16xf32>,
          %sub3A_289 = arith.subf %get3A_286, %get3A_282 : vector<16xf32>
          %max3A_290 = arith.constant 0.000000e+00 : f32
          %max3A_291 = vector.broadcast %max3A_290 : f32 to vector<16xf32>
          %max3A_292 = arith.maximumf %sub3A_289, %max3A_291 : vector<16xf32>
          %sub3A_293 = arith.subf %get3A_288, %get3A_284 : vector<16xf32>
          %max3A_294 = arith.constant 0.000000e+00 : f32
          %max3A_295 = vector.broadcast %max3A_294 : f32 to vector<16xf32>
          %max3A_296 = arith.maximumf %sub3A_293, %max3A_295 : vector<16xf32>
          %mul3A_297 = arith.mulf %max3A_292, %max3A_296 : vector<16xf32>
          %get3A_298 = arith.index_cast %mul3A_278 : i32 to index
          %get3A_299 = tpu.vector_load %arg10[%get3A_298] {strides = array<i32>} : memref<6416xi32, #tpu.memory_space<vmem>>, vector<16xi32>,
          %mul3A_300 = arith.constant 16 : i32
          %mul3A_301 = arith.muli %while3A_273, %mul3A_300 : i32
          %add3A_302 = vector.broadcast %mul3A_301 : i32 to vector<16xi32>
          %add3A_303 = arith.addi %iota3A, %add3A_302 : vector<16xi32>
          %max3A_304 = arith.maximumf %scan3A_87, %get3A_282 : vector<16xf32>
          %max3A_305 = arith.maximumf %scan3A_88, %get3A_284 : vector<16xf32>
          %min3A = arith.minimumf %scan3A_89, %get3A_286 : vector<16xf32>
          %min3A_306 = arith.minimumf %scan3A_90, %get3A_288 : vector<16xf32>
          %sub3A_307 = arith.subf %min3A, %max3A_304 : vector<16xf32>
          %max3A_308 = arith.constant 0.000000e+00 : f32
          %max3A_309 = vector.broadcast %max3A_308 : f32 to vector<16xf32>
          %max3A_310 = arith.maximumf %sub3A_307, %max3A_309 : vector<16xf32>
          %sub3A_311 = arith.subf %min3A_306, %max3A_305 : vector<16xf32>
          %max3A_312 = arith.constant 0.000000e+00 : f32
          %max3A_313 = vector.broadcast %max3A_312 : f32 to vector<16xf32>
          %max3A_314 = arith.maximumf %sub3A_311, %max3A_313 : vector<16xf32>
          %mul3A_315 = arith.mulf %max3A_310, %max3A_314 : vector<16xf32>
          %add3A_316 = arith.addf %scan3A_91, %mul3A_297 : vector<16xf32>
          %sub3A_317 = arith.subf %add3A_316, %mul3A_315 : vector<16xf32>
          %gt3A_318 = arith.constant 0.000000e+00 : f32
          %gt3A_319 = vector.broadcast %gt3A_318 : f32 to vector<16xf32>
          %gt3A_320 = arith.cmpf ogt, %sub3A_317, %gt3A_319 : vector<16xf32>
          %jit3A_321 = arith.constant 1.000000e+00 : f32
          %broadcast_in_dim3A_322 = vector.broadcast %jit3A_321 : f32 to vector<16xf32>
          %select_n3A_323 = arith.select %gt3A_320, %sub3A_317, %broadcast_in_dim3A_322 : vector<16xi1>, vector<16xf32>
          %div3A_324 = arith.divf %mul3A_315, %select_n3A_323 : vector<16xf32>
          %jit3A_325 = arith.constant 0.000000e+00 : f32
          %broadcast_in_dim3A_326 = vector.broadcast %jit3A_325 : f32 to vector<16xf32>
          %select_n3A_327 = arith.select %gt3A_320, %div3A_324, %broadcast_in_dim3A_326 : vector<16xi1>, vector<16xf32>
          %gt3A_328 = arith.constant 5.000000e-01 : f32
          %gt3A_329 = vector.broadcast %gt3A_328 : f32 to vector<16xf32>
          %gt3A_330 = arith.cmpf ogt, %select_n3A_327, %gt3A_329 : vector<16xf32>
          %eq3A_331 = arith.cmpi eq, %get3A_299, %scan3A_92 : vector<16xi32>
          %or3A = arith.ori %gt3A_330, %eq3A_331 : vector<16xi1>
          %broadcast_in_dim3A_332 = vector.broadcast %scan3A_71 : f32 to vector<16xf32>
          %select_n3A_333 = arith.select %or3A, %broadcast_in_dim3A_332, %get3A_280 : vector<16xi1>, vector<16xf32>
          %swap3A_334 = arith.index_cast %mul3A_278 : i32 to index
          %swap3A_335 = tpu.vector_load %arg9[%swap3A_334] {strides = array<i32>} : memref<6416xf32, #tpu.memory_space<vmem>>, vector<16xf32>,
          tpu.vector_store %arg9[%swap3A_334], %select_n3A_333 {strides = array<i32>} : memref<6416xf32, #tpu.memory_space<vmem>>, vector<16xf32>,
          %gt3A_336 = arith.cmpf ogt, %select_n3A_333, %while3A_274 : vector<16xf32>
          %select_n3A_337 = arith.select %gt3A_336, %select_n3A_333, %while3A_274 : vector<16xi1>, vector<16xf32>
          %select_n3A_338 = arith.select %gt3A_336, %get3A_299, %while3A_275 : vector<16xi1>, vector<16xi32>
          %select_n3A_339 = arith.select %gt3A_336, %add3A_303, %while3A_276 : vector<16xi1>, vector<16xi32>
          scf.yield %select_n3A_337, %select_n3A_338, %select_n3A_339 : vector<16xf32>, vector<16xi32>, vector<16xi32>
        }
        %xor3A = arith.constant 1 : i32
        %xor3A_108 = vector.broadcast %xor3A : i32 to vector<16xi32>
        %xor3A_109 = arith.xori %iota3A, %xor3A_108 : vector<16xi32>
        %swap3A_110 = arith.constant 0 : index
        %swap3A_111 = tpu.vector_load %arg12[%swap3A_110] {strides = array<i32>} : memref<16xf32, #tpu.memory_space<vmem>>, vector<16xf32>,
        tpu.vector_store %arg12[%swap3A_110], %while3A_107#0 {strides = array<i32>} : memref<16xf32, #tpu.memory_space<vmem>>, vector<16xf32>,
        %gather3A = tpu.vector_load_idx %arg12[%xor3A_109] : memref<16xf32, #tpu.memory_space<vmem>>[vector<16xi32>], vector<16xf32>,
        %max3A = arith.maximumf %while3A_107#0, %gather3A : vector<16xf32>
        %xor3A_112 = arith.constant 2 : i32
        %xor3A_113 = vector.broadcast %xor3A_112 : i32 to vector<16xi32>
        %xor3A_114 = arith.xori %iota3A, %xor3A_113 : vector<16xi32>
        %swap3A_115 = arith.constant 0 : index
        %swap3A_116 = tpu.vector_load %arg12[%swap3A_115] {strides = array<i32>} : memref<16xf32, #tpu.memory_space<vmem>>, vector<16xf32>,
        tpu.vector_store %arg12[%swap3A_115], %max3A {strides = array<i32>} : memref<16xf32, #tpu.memory_space<vmem>>, vector<16xf32>,
        %gather3A_117 = tpu.vector_load_idx %arg12[%xor3A_114] : memref<16xf32, #tpu.memory_space<vmem>>[vector<16xi32>], vector<16xf32>,
        %max3A_118 = arith.maximumf %max3A, %gather3A_117 : vector<16xf32>
        %xor3A_119 = arith.constant 4 : i32
        %xor3A_120 = vector.broadcast %xor3A_119 : i32 to vector<16xi32>
        %xor3A_121 = arith.xori %iota3A, %xor3A_120 : vector<16xi32>
        %swap3A_122 = arith.constant 0 : index
        %swap3A_123 = tpu.vector_load %arg12[%swap3A_122] {strides = array<i32>} : memref<16xf32, #tpu.memory_space<vmem>>, vector<16xf32>,
        tpu.vector_store %arg12[%swap3A_122], %max3A_118 {strides = array<i32>} : memref<16xf32, #tpu.memory_space<vmem>>, vector<16xf32>,
        %gather3A_124 = tpu.vector_load_idx %arg12[%xor3A_121] : memref<16xf32, #tpu.memory_space<vmem>>[vector<16xi32>], vector<16xf32>,
        %max3A_125 = arith.maximumf %max3A_118, %gather3A_124 : vector<16xf32>
        %xor3A_126 = arith.constant 8 : i32
        %xor3A_127 = vector.broadcast %xor3A_126 : i32 to vector<16xi32>
        %xor3A_128 = arith.xori %iota3A, %xor3A_127 : vector<16xi32>
        %swap3A_129 = arith.constant 0 : index
        %swap3A_130 = tpu.vector_load %arg12[%swap3A_129] {strides = array<i32>} : memref<16xf32, #tpu.memory_space<vmem>>, vector<16xf32>,
        tpu.vector_store %arg12[%swap3A_129], %max3A_125 {strides = array<i32>} : memref<16xf32, #tpu.memory_space<vmem>>, vector<16xf32>,
        %gather3A_131 = tpu.vector_load_idx %arg12[%xor3A_128] : memref<16xf32, #tpu.memory_space<vmem>>[vector<16xi32>], vector<16xf32>,
        %max3A_132 = arith.maximumf %max3A_125, %gather3A_131 : vector<16xf32>
        %eq3A_133 = arith.cmpf oeq, %while3A_107#0, %max3A_132 : vector<16xf32>
        %jit3A_134 = arith.constant 2147483647 : i32
        %broadcast_in_dim3A_135 = vector.broadcast %jit3A_134 : i32 to vector<16xi32>
        %select_n3A_136 = arith.select %eq3A_133, %while3A_107#1, %broadcast_in_dim3A_135 : vector<16xi1>, vector<16xi32>
        %eq3A_137 = arith.cmpf oeq, %while3A_107#0, %max3A_132 : vector<16xf32>
        %jit3A_138 = arith.constant 0 : i32
        %broadcast_in_dim3A_139 = vector.broadcast %jit3A_138 : i32 to vector<16xi32>
        %select_n3A_140 = arith.select %eq3A_137, %while3A_107#2, %broadcast_in_dim3A_139 : vector<16xi1>, vector<16xi32>
        %xor3A_141 = arith.constant 1 : i32
        %xor3A_142 = vector.broadcast %xor3A_141 : i32 to vector<16xi32>
        %xor3A_143 = arith.xori %iota3A, %xor3A_142 : vector<16xi32>
        %bitcast3A = vector.bitcast %select_n3A_136 : vector<16xi32> to vector<16xf32>
        %swap3A_144 = arith.constant 0 : index
        %swap3A_145 = tpu.vector_load %arg12[%swap3A_144] {strides = array<i32>} : memref<16xf32, #tpu.memory_space<vmem>>, vector<16xf32>,
        tpu.vector_store %arg12[%swap3A_144], %bitcast3A {strides = array<i32>} : memref<16xf32, #tpu.memory_space<vmem>>, vector<16xf32>,
        %gather3A_146 = tpu.vector_load_idx %arg12[%xor3A_143] : memref<16xf32, #tpu.memory_space<vmem>>[vector<16xi32>], vector<16xf32>,
        %bitcast3A_147 = vector.bitcast %gather3A_146 : vector<16xf32> to vector<16xi32>
        %xor3A_148 = arith.constant 1 : i32
        %xor3A_149 = vector.broadcast %xor3A_148 : i32 to vector<16xi32>
        %xor3A_150 = arith.xori %iota3A, %xor3A_149 : vector<16xi32>
        %bitcast3A_151 = vector.bitcast %select_n3A_140 : vector<16xi32> to vector<16xf32>
        %swap3A_152 = arith.constant 0 : index
        %swap3A_153 = tpu.vector_load %arg12[%swap3A_152] {strides = array<i32>} : memref<16xf32, #tpu.memory_space<vmem>>, vector<16xf32>,
        tpu.vector_store %arg12[%swap3A_152], %bitcast3A_151 {strides = array<i32>} : memref<16xf32, #tpu.memory_space<vmem>>, vector<16xf32>,
        %gather3A_154 = tpu.vector_load_idx %arg12[%xor3A_150] : memref<16xf32, #tpu.memory_space<vmem>>[vector<16xi32>], vector<16xf32>,
        %bitcast3A_155 = vector.bitcast %gather3A_154 : vector<16xf32> to vector<16xi32>
        %lt3A = arith.cmpi slt, %bitcast3A_147, %select_n3A_136 : vector<16xi32>
        %select_n3A_156 = arith.select %lt3A, %bitcast3A_147, %select_n3A_136 : vector<16xi1>, vector<16xi32>
        %select_n3A_157 = arith.select %lt3A, %bitcast3A_155, %select_n3A_140 : vector<16xi1>, vector<16xi32>
        %xor3A_158 = arith.constant 2 : i32
        %xor3A_159 = vector.broadcast %xor3A_158 : i32 to vector<16xi32>
        %xor3A_160 = arith.xori %iota3A, %xor3A_159 : vector<16xi32>
        %bitcast3A_161 = vector.bitcast %select_n3A_156 : vector<16xi32> to vector<16xf32>
        %swap3A_162 = arith.constant 0 : index
        %swap3A_163 = tpu.vector_load %arg12[%swap3A_162] {strides = array<i32>} : memref<16xf32, #tpu.memory_space<vmem>>, vector<16xf32>,
        tpu.vector_store %arg12[%swap3A_162], %bitcast3A_161 {strides = array<i32>} : memref<16xf32, #tpu.memory_space<vmem>>, vector<16xf32>,
        %gather3A_164 = tpu.vector_load_idx %arg12[%xor3A_160] : memref<16xf32, #tpu.memory_space<vmem>>[vector<16xi32>], vector<16xf32>,
        %bitcast3A_165 = vector.bitcast %gather3A_164 : vector<16xf32> to vector<16xi32>
        %xor3A_166 = arith.constant 2 : i32
        %xor3A_167 = vector.broadcast %xor3A_166 : i32 to vector<16xi32>
        %xor3A_168 = arith.xori %iota3A, %xor3A_167 : vector<16xi32>
        %bitcast3A_169 = vector.bitcast %select_n3A_157 : vector<16xi32> to vector<16xf32>
        %swap3A_170 = arith.constant 0 : index
        %swap3A_171 = tpu.vector_load %arg12[%swap3A_170] {strides = array<i32>} : memref<16xf32, #tpu.memory_space<vmem>>, vector<16xf32>,
        tpu.vector_store %arg12[%swap3A_170], %bitcast3A_169 {strides = array<i32>} : memref<16xf32, #tpu.memory_space<vmem>>, vector<16xf32>,
        %gather3A_172 = tpu.vector_load_idx %arg12[%xor3A_168] : memref<16xf32, #tpu.memory_space<vmem>>[vector<16xi32>], vector<16xf32>,
        %bitcast3A_173 = vector.bitcast %gather3A_172 : vector<16xf32> to vector<16xi32>
        %lt3A_174 = arith.cmpi slt, %bitcast3A_165, %select_n3A_156 : vector<16xi32>
        %select_n3A_175 = arith.select %lt3A_174, %bitcast3A_165, %select_n3A_156 : vector<16xi1>, vector<16xi32>
        %select_n3A_176 = arith.select %lt3A_174, %bitcast3A_173, %select_n3A_157 : vector<16xi1>, vector<16xi32>
        %xor3A_177 = arith.constant 4 : i32
        %xor3A_178 = vector.broadcast %xor3A_177 : i32 to vector<16xi32>
        %xor3A_179 = arith.xori %iota3A, %xor3A_178 : vector<16xi32>
        %bitcast3A_180 = vector.bitcast %select_n3A_175 : vector<16xi32> to vector<16xf32>
        %swap3A_181 = arith.constant 0 : index
        %swap3A_182 = tpu.vector_load %arg12[%swap3A_181] {strides = array<i32>} : memref<16xf32, #tpu.memory_space<vmem>>, vector<16xf32>,
        tpu.vector_store %arg12[%swap3A_181], %bitcast3A_180 {strides = array<i32>} : memref<16xf32, #tpu.memory_space<vmem>>, vector<16xf32>,
        %gather3A_183 = tpu.vector_load_idx %arg12[%xor3A_179] : memref<16xf32, #tpu.memory_space<vmem>>[vector<16xi32>], vector<16xf32>,
        %bitcast3A_184 = vector.bitcast %gather3A_183 : vector<16xf32> to vector<16xi32>
        %xor3A_185 = arith.constant 4 : i32
        %xor3A_186 = vector.broadcast %xor3A_185 : i32 to vector<16xi32>
        %xor3A_187 = arith.xori %iota3A, %xor3A_186 : vector<16xi32>
        %bitcast3A_188 = vector.bitcast %select_n3A_176 : vector<16xi32> to vector<16xf32>
        %swap3A_189 = arith.constant 0 : index
        %swap3A_190 = tpu.vector_load %arg12[%swap3A_189] {strides = array<i32>} : memref<16xf32, #tpu.memory_space<vmem>>, vector<16xf32>,
        tpu.vector_store %arg12[%swap3A_189], %bitcast3A_188 {strides = array<i32>} : memref<16xf32, #tpu.memory_space<vmem>>, vector<16xf32>,
        %gather3A_191 = tpu.vector_load_idx %arg12[%xor3A_187] : memref<16xf32, #tpu.memory_space<vmem>>[vector<16xi32>], vector<16xf32>,
        %bitcast3A_192 = vector.bitcast %gather3A_191 : vector<16xf32> to vector<16xi32>
        %lt3A_193 = arith.cmpi slt, %bitcast3A_184, %select_n3A_175 : vector<16xi32>
        %select_n3A_194 = arith.select %lt3A_193, %bitcast3A_184, %select_n3A_175 : vector<16xi1>, vector<16xi32>
        %select_n3A_195 = arith.select %lt3A_193, %bitcast3A_192, %select_n3A_176 : vector<16xi1>, vector<16xi32>
        %xor3A_196 = arith.constant 8 : i32
        %xor3A_197 = vector.broadcast %xor3A_196 : i32 to vector<16xi32>
        %xor3A_198 = arith.xori %iota3A, %xor3A_197 : vector<16xi32>
        %bitcast3A_199 = vector.bitcast %select_n3A_194 : vector<16xi32> to vector<16xf32>
        %swap3A_200 = arith.constant 0 : index
        %swap3A_201 = tpu.vector_load %arg12[%swap3A_200] {strides = array<i32>} : memref<16xf32, #tpu.memory_space<vmem>>, vector<16xf32>,
        tpu.vector_store %arg12[%swap3A_200], %bitcast3A_199 {strides = array<i32>} : memref<16xf32, #tpu.memory_space<vmem>>, vector<16xf32>,
        %gather3A_202 = tpu.vector_load_idx %arg12[%xor3A_198] : memref<16xf32, #tpu.memory_space<vmem>>[vector<16xi32>], vector<16xf32>,
        %bitcast3A_203 = vector.bitcast %gather3A_202 : vector<16xf32> to vector<16xi32>
        %xor3A_204 = arith.constant 8 : i32
        %xor3A_205 = vector.broadcast %xor3A_204 : i32 to vector<16xi32>
        %xor3A_206 = arith.xori %iota3A, %xor3A_205 : vector<16xi32>
        %bitcast3A_207 = vector.bitcast %select_n3A_195 : vector<16xi32> to vector<16xf32>
        %swap3A_208 = arith.constant 0 : index
        %swap3A_209 = tpu.vector_load %arg12[%swap3A_208] {strides = array<i32>} : memref<16xf32, #tpu.memory_space<vmem>>, vector<16xf32>,
        tpu.vector_store %arg12[%swap3A_208], %bitcast3A_207 {strides = array<i32>} : memref<16xf32, #tpu.memory_space<vmem>>, vector<16xf32>,
        %gather3A_210 = tpu.vector_load_idx %arg12[%xor3A_206] : memref<16xf32, #tpu.memory_space<vmem>>[vector<16xi32>], vector<16xf32>,
        %bitcast3A_211 = vector.bitcast %gather3A_210 : vector<16xf32> to vector<16xi32>
        %lt3A_212 = arith.cmpi slt, %bitcast3A_203, %select_n3A_194 : vector<16xi32>
        %select_n3A_213 = arith.select %lt3A_212, %bitcast3A_203, %select_n3A_194 : vector<16xi1>, vector<16xi32>
        %select_n3A_214 = arith.select %lt3A_212, %bitcast3A_211, %select_n3A_195 : vector<16xi1>, vector<16xi32>
        %gather3A_215 = tpu.vector_load_idx %arg4[%select_n3A_214] : memref<6416xf32, #tpu.memory_space<vmem>>[vector<16xi32>], vector<16xf32>,
        %gather3A_216 = tpu.vector_load_idx %arg5[%select_n3A_214] : memref<6416xf32, #tpu.memory_space<vmem>>[vector<16xi32>], vector<16xf32>,
        %gather3A_217 = tpu.vector_load_idx %arg6[%select_n3A_214] : memref<6416xf32, #tpu.memory_space<vmem>>[vector<16xi32>], vector<16xf32>,
        %gather3A_218 = tpu.vector_load_idx %arg7[%select_n3A_214] : memref<6416xf32, #tpu.memory_space<vmem>>[vector<16xi32>], vector<16xf32>,
        %gather3A_219 = tpu.vector_load_idx %arg8[%select_n3A_214] : memref<6416xf32, #tpu.memory_space<vmem>>[vector<16xi32>], vector<16xf32>,
        %sub3A_220 = arith.subf %gather3A_217, %gather3A_215 : vector<16xf32>
        %max3A_221 = arith.constant 0.000000e+00 : f32
        %max3A_222 = vector.broadcast %max3A_221 : f32 to vector<16xf32>
        %max3A_223 = arith.maximumf %sub3A_220, %max3A_222 : vector<16xf32>
        %sub3A_224 = arith.subf %gather3A_218, %gather3A_216 : vector<16xf32>
        %max3A_225 = arith.constant 0.000000e+00 : f32
        %max3A_226 = vector.broadcast %max3A_225 : f32 to vector<16xf32>
        %max3A_227 = arith.maximumf %sub3A_224, %max3A_226 : vector<16xf32>
        %mul3A_228 = arith.mulf %max3A_223, %max3A_227 : vector<16xf32>
        %gt3A = arith.constant -5.000000e+09 : f32
        %gt3A_229 = vector.broadcast %gt3A : f32 to vector<16xf32>
        %gt3A_230 = arith.cmpf ogt, %max3A_132, %gt3A_229 : vector<16xf32>
        %broadcast_in_dim3A_231 = arith.constant 0.000000e+00 : f32
        %broadcast_in_dim3A_232 = vector.broadcast %broadcast_in_dim3A_231 : f32 to vector<16xf32>
        %eq3A_233 = arith.constant 0 : i32
        %eq3A_234 = vector.broadcast %eq3A_233 : i32 to vector<16xi32>
        %eq3A_235 = arith.cmpi eq, %iota3A, %eq3A_234 : vector<16xi32>
        %select_n3A_236 = arith.select %gt3A_230, %gather3A_215, %broadcast_in_dim3A_232 : vector<16xi1>, vector<16xf32>
        %eq3A_237 = arith.constant 1 : i32
        %eq3A_238 = vector.broadcast %eq3A_237 : i32 to vector<16xi32>
        %eq3A_239 = arith.cmpi eq, %iota3A, %eq3A_238 : vector<16xi32>
        %select_n3A_240 = arith.select %gt3A_230, %gather3A_216, %broadcast_in_dim3A_232 : vector<16xi1>, vector<16xf32>
        %eq3A_241 = arith.constant 2 : i32
        %eq3A_242 = vector.broadcast %eq3A_241 : i32 to vector<16xi32>
        %eq3A_243 = arith.cmpi eq, %iota3A, %eq3A_242 : vector<16xi32>
        %select_n3A_244 = arith.select %gt3A_230, %gather3A_217, %broadcast_in_dim3A_232 : vector<16xi1>, vector<16xf32>
        %eq3A_245 = arith.constant 3 : i32
        %eq3A_246 = vector.broadcast %eq3A_245 : i32 to vector<16xi32>
        %eq3A_247 = arith.cmpi eq, %iota3A, %eq3A_246 : vector<16xi32>
        %select_n3A_248 = arith.select %gt3A_230, %gather3A_218, %broadcast_in_dim3A_232 : vector<16xi1>, vector<16xf32>
        %eq3A_249 = arith.constant 4 : i32
        %eq3A_250 = vector.broadcast %eq3A_249 : i32 to vector<16xi32>
        %eq3A_251 = arith.cmpi eq, %iota3A, %eq3A_250 : vector<16xi32>
        %select_n3A_252 = arith.select %gt3A_230, %max3A_132, %broadcast_in_dim3A_232 : vector<16xi1>, vector<16xf32>
        %eq3A_253 = arith.constant 5 : i32
        %eq3A_254 = vector.broadcast %eq3A_253 : i32 to vector<16xi32>
        %eq3A_255 = arith.cmpi eq, %iota3A, %eq3A_254 : vector<16xi32>
        %select_n3A_256 = arith.select %gt3A_230, %gather3A_219, %broadcast_in_dim3A_232 : vector<16xi1>, vector<16xf32>
        %select_n3A_257 = arith.select %eq3A_255, %select_n3A_256, %broadcast_in_dim3A_232 : vector<16xi1>, vector<16xf32>
        %select_n3A_258 = arith.select %eq3A_251, %select_n3A_252, %select_n3A_257 : vector<16xi1>, vector<16xf32>
        %select_n3A_259 = arith.select %eq3A_247, %select_n3A_248, %select_n3A_258 : vector<16xi1>, vector<16xf32>
        %select_n3A_260 = arith.select %eq3A_243, %select_n3A_244, %select_n3A_259 : vector<16xi1>, vector<16xf32>
        %select_n3A_261 = arith.select %eq3A_239, %select_n3A_240, %select_n3A_260 : vector<16xi1>, vector<16xf32>
        %select_n3A_262 = arith.select %eq3A_235, %select_n3A_236, %select_n3A_261 : vector<16xi1>, vector<16xf32>
        %mul3A_263 = arith.constant 16 : i32
        %mul3A_264 = arith.muli %scan3A_86, %mul3A_263 : i32
        %swap3A_265 = arith.index_cast %mul3A_264 : i32 to index
        %swap3A_266 = tpu.vector_load %arg11[%swap3A_265] {strides = array<i32>} : memref<1616xf32, #tpu.memory_space<vmem>>, vector<16xf32>,
        tpu.vector_store %arg11[%swap3A_265], %select_n3A_262 {strides = array<i32>} : memref<1616xf32, #tpu.memory_space<vmem>>, vector<16xf32>,
        %jit3A_267 = arith.constant 1.000000e+00 : f32
        %jit3A_268 = arith.constant 0.000000e+00 : f32
        %broadcast_in_dim3A_269 = vector.broadcast %jit3A_267 : f32 to vector<16xf32>
        %broadcast_in_dim3A_270 = vector.broadcast %jit3A_268 : f32 to vector<16xf32>
        %select_n3A_271 = arith.select %gt3A_230, %broadcast_in_dim3A_269, %broadcast_in_dim3A_270 : vector<16xi1>, vector<16xf32>
        %add3A_272 = arith.addf %scan3A_93, %select_n3A_271 : vector<16xf32>
        scf.yield %gather3A_215, %gather3A_216, %gather3A_217, %gather3A_218, %mul3A_228, %select_n3A_213, %add3A_272 : vector<16xf32>, vector<16xf32>, vector<16xf32>, vector<16xf32>, vector<16xf32>, vector<16xi32>, vector<16xf32>
      }
      %scan3A_77 = arith.constant 100 : i32
      %eq3A_78 = arith.constant 0 : i32
      %eq3A_79 = vector.broadcast %eq3A_78 : i32 to vector<16xi32>
      %eq3A_80 = arith.cmpi eq, %iota3A, %eq3A_79 : vector<16xi32>
      %broadcast_in_dim3A_81 = arith.constant 0.000000e+00 : f32
      %broadcast_in_dim3A_82 = vector.broadcast %broadcast_in_dim3A_81 : f32 to vector<16xf32>
      %select_n3A_83 = arith.select %eq3A_80, %scan3A_76#6, %broadcast_in_dim3A_82 : vector<16xi1>, vector<16xf32>
      %swap3A_84 = arith.constant 1600 : index
      %swap3A_85 = tpu.vector_load %arg11[%swap3A_84] {strides = array<i32>} : memref<1616xf32, #tpu.memory_space<vmem>>, vector<16xf32>,
      tpu.vector_store %arg11[%swap3A_84], %select_n3A_83 {strides = array<i32>} : memref<1616xf32, #tpu.memory_space<vmem>>, vector<16xf32>,
      "tpu.region"() ({
        %run_scoped3A = tpu.sem_alloc : memref<!tpu.dma_semaphore, #tpu.memory_space<semaphore_mem>>
        tpu.enqueue_dma source(%arg11 : memref<1616xf32, #tpu.memory_space<vmem>>) target(%arg3 : memref<1616xf32, #tpu.memory_space<hbm>>) target_semaphore(%run_scoped3A : memref<!tpu.dma_semaphore, #tpu.memory_space<semaphore_mem>>)
        tpu.wait_dma2 semaphore(%run_scoped3A : memref<!tpu.dma_semaphore, #tpu.memory_space<semaphore_mem>>) src(%arg11 : memref<1616xf32, #tpu.memory_space<vmem>>) dst(%arg3 : memref<1616xf32, #tpu.memory_space<hbm>>)
        tpu.yield
      }) : () -> ()
    } else {
    }
    return
  }
}

module attributes {stable_mosaic.version = 14 : i64} {
  func.func @_decode_kernel(%arg0: memref<85x8x800xf32, #tpu.memory_space<vmem>>, %arg1: memref<6x8x800xf32, #tpu.memory_space<vmem>>, %arg2: memref<6x8x800xf32, #tpu.memory_space<vmem>>) attributes {dimension_semantics = [], scalar_prefetch = 0 : i64, scratch_operands = 0 : i64, tpu.core_type = #tpu.core_type<tc>} {
    %get3A = arith.constant 0 : index
    %get3A_0 = arith.constant 0 : index
    %get3A_1 = arith.constant 0 : index
    %get3A_2 = vector.load %arg1[%get3A, %get3A_0, %get3A_1] : memref<6x8x800xf32, #tpu.memory_space<vmem>>, vector<1x8x800xf32>
    %get3A_3 = vector.shape_cast %get3A_2 : vector<1x8x800xf32> to vector<8x800xf32>
    %get3A_4 = arith.constant 1 : index
    %get3A_5 = arith.constant 0 : index
    %get3A_6 = arith.constant 0 : index
    %get3A_7 = vector.load %arg1[%get3A_4, %get3A_5, %get3A_6] : memref<6x8x800xf32, #tpu.memory_space<vmem>>, vector<1x8x800xf32>
    %get3A_8 = vector.shape_cast %get3A_7 : vector<1x8x800xf32> to vector<8x800xf32>
    %get3A_9 = arith.constant 2 : index
    %get3A_10 = arith.constant 0 : index
    %get3A_11 = arith.constant 0 : index
    %get3A_12 = vector.load %arg1[%get3A_9, %get3A_10, %get3A_11] : memref<6x8x800xf32, #tpu.memory_space<vmem>>, vector<1x8x800xf32>
    %get3A_13 = vector.shape_cast %get3A_12 : vector<1x8x800xf32> to vector<8x800xf32>
    %get3A_14 = arith.constant 3 : index
    %get3A_15 = arith.constant 0 : index
    %get3A_16 = arith.constant 0 : index
    %get3A_17 = vector.load %arg1[%get3A_14, %get3A_15, %get3A_16] : memref<6x8x800xf32, #tpu.memory_space<vmem>>, vector<1x8x800xf32>
    %get3A_18 = vector.shape_cast %get3A_17 : vector<1x8x800xf32> to vector<8x800xf32>
    %get3A_19 = arith.constant 4 : index
    %get3A_20 = arith.constant 0 : index
    %get3A_21 = arith.constant 0 : index
    %get3A_22 = vector.load %arg1[%get3A_19, %get3A_20, %get3A_21] : memref<6x8x800xf32, #tpu.memory_space<vmem>>, vector<1x8x800xf32>
    %get3A_23 = vector.shape_cast %get3A_22 : vector<1x8x800xf32> to vector<8x800xf32>
    %get3A_24 = arith.constant 5 : index
    %get3A_25 = arith.constant 0 : index
    %get3A_26 = arith.constant 0 : index
    %get3A_27 = vector.load %arg1[%get3A_24, %get3A_25, %get3A_26] : memref<6x8x800xf32, #tpu.memory_space<vmem>>, vector<1x8x800xf32>
    %get3A_28 = vector.shape_cast %get3A_27 : vector<1x8x800xf32> to vector<8x800xf32>
    %gt3A = arith.constant 0.000000e+00 : f32
    %gt3A_29 = vector.broadcast %gt3A : f32 to vector<8x800xf32>
    %gt3A_30 = arith.cmpf ogt, %get3A_28, %gt3A_29 : vector<8x800xf32>
    %get3A_31 = arith.constant 0 : index
    %get3A_32 = arith.constant 0 : index
    %get3A_33 = arith.constant 0 : index
    %get3A_34 = vector.load %arg0[%get3A_31, %get3A_32, %get3A_33] : memref<85x8x800xf32, #tpu.memory_space<vmem>>, vector<1x8x800xf32>
    %get3A_35 = vector.shape_cast %get3A_34 : vector<1x8x800xf32> to vector<8x800xf32>
    %add3A = arith.addf %get3A_35, %get3A_3 : vector<8x800xf32>
    %div3A = arith.divf %add3A, %get3A_23 : vector<8x800xf32>
    %get3A_36 = arith.constant 1 : index
    %get3A_37 = arith.constant 0 : index
    %get3A_38 = arith.constant 0 : index
    %get3A_39 = vector.load %arg0[%get3A_36, %get3A_37, %get3A_38] : memref<85x8x800xf32, #tpu.memory_space<vmem>>, vector<1x8x800xf32>
    %get3A_40 = vector.shape_cast %get3A_39 : vector<1x8x800xf32> to vector<8x800xf32>
    %add3A_41 = arith.addf %get3A_40, %get3A_8 : vector<8x800xf32>
    %div3A_42 = arith.divf %add3A_41, %get3A_23 : vector<8x800xf32>
    %get3A_43 = arith.constant 2 : index
    %get3A_44 = arith.constant 0 : index
    %get3A_45 = arith.constant 0 : index
    %get3A_46 = vector.load %arg0[%get3A_43, %get3A_44, %get3A_45] : memref<85x8x800xf32, #tpu.memory_space<vmem>>, vector<1x8x800xf32>
    %get3A_47 = vector.shape_cast %get3A_46 : vector<1x8x800xf32> to vector<8x800xf32>
    %exp3A = math.exp %get3A_47 : vector<8x800xf32>
    %mul3A = arith.mulf %exp3A, %get3A_13 : vector<8x800xf32>
    %get3A_48 = arith.constant 3 : index
    %get3A_49 = arith.constant 0 : index
    %get3A_50 = arith.constant 0 : index
    %get3A_51 = vector.load %arg0[%get3A_48, %get3A_49, %get3A_50] : memref<85x8x800xf32, #tpu.memory_space<vmem>>, vector<1x8x800xf32>
    %get3A_52 = vector.shape_cast %get3A_51 : vector<1x8x800xf32> to vector<8x800xf32>
    %exp3A_53 = math.exp %get3A_52 : vector<8x800xf32>
    %mul3A_54 = arith.mulf %exp3A_53, %get3A_18 : vector<8x800xf32>
    %get3A_55 = arith.constant 4 : index
    %get3A_56 = arith.constant 0 : index
    %get3A_57 = arith.constant 0 : index
    %get3A_58 = vector.load %arg0[%get3A_55, %get3A_56, %get3A_57] : memref<85x8x800xf32, #tpu.memory_space<vmem>>, vector<1x8x800xf32>
    %get3A_59 = vector.shape_cast %get3A_58 : vector<1x8x800xf32> to vector<8x800xf32>
    %mul3A_60 = arith.constant 5.000000e-01 : f32
    %mul3A_61 = vector.broadcast %mul3A_60 : f32 to vector<8x800xf32>
    %mul3A_62 = arith.mulf %mul3A, %mul3A_61 : vector<8x800xf32>
    %sub3A = arith.subf %div3A, %mul3A_62 : vector<8x800xf32>
    %mul3A_63 = arith.constant 5.000000e-01 : f32
    %mul3A_64 = vector.broadcast %mul3A_63 : f32 to vector<8x800xf32>
    %mul3A_65 = arith.mulf %mul3A, %mul3A_64 : vector<8x800xf32>
    %add3A_66 = arith.addf %div3A, %mul3A_65 : vector<8x800xf32>
    %mul3A_67 = arith.constant 5.000000e-01 : f32
    %mul3A_68 = vector.broadcast %mul3A_67 : f32 to vector<8x800xf32>
    %mul3A_69 = arith.mulf %mul3A_54, %mul3A_68 : vector<8x800xf32>
    %sub3A_70 = arith.subf %div3A_42, %mul3A_69 : vector<8x800xf32>
    %mul3A_71 = arith.constant 5.000000e-01 : f32
    %mul3A_72 = vector.broadcast %mul3A_71 : f32 to vector<8x800xf32>
    %mul3A_73 = arith.mulf %mul3A_54, %mul3A_72 : vector<8x800xf32>
    %add3A_74 = arith.addf %div3A_42, %mul3A_73 : vector<8x800xf32>
    %get3A_75 = arith.constant 5 : index
    %get3A_76 = arith.constant 0 : index
    %get3A_77 = arith.constant 0 : index
    %get3A_78 = vector.load %arg0[%get3A_75, %get3A_76, %get3A_77] : memref<85x8x800xf32, #tpu.memory_space<vmem>>, vector<1x8x800xf32>
    %get3A_79 = vector.shape_cast %get3A_78 : vector<1x8x800xf32> to vector<8x800xf32>
    %broadcast_in_dim3A = arith.constant 0.000000e+00 : f32
    %broadcast_in_dim3A_80 = vector.broadcast %broadcast_in_dim3A : f32 to vector<8x800xf32>
    %get3A_81 = arith.constant 6 : index
    %get3A_82 = arith.constant 0 : index
    %get3A_83 = arith.constant 0 : index
    %get3A_84 = vector.load %arg0[%get3A_81, %get3A_82, %get3A_83] : memref<85x8x800xf32, #tpu.memory_space<vmem>>, vector<1x8x800xf32>
    %get3A_85 = vector.shape_cast %get3A_84 : vector<1x8x800xf32> to vector<8x800xf32>
    %gt3A_86 = arith.cmpf ogt, %get3A_85, %get3A_79 : vector<8x800xf32>
    %select_n3A = arith.select %gt3A_86, %get3A_85, %get3A_79 : vector<8x800xi1>, vector<8x800xf32>
    %jit3A = arith.constant 1.000000e+00 : f32
    %broadcast_in_dim3A_87 = vector.broadcast %jit3A : f32 to vector<8x800xf32>
    %select_n3A_88 = arith.select %gt3A_86, %broadcast_in_dim3A_87, %broadcast_in_dim3A_80 : vector<8x800xi1>, vector<8x800xf32>
    %get3A_89 = arith.constant 7 : index
    %get3A_90 = arith.constant 0 : index
    %get3A_91 = arith.constant 0 : index
    %get3A_92 = vector.load %arg0[%get3A_89, %get3A_90, %get3A_91] : memref<85x8x800xf32, #tpu.memory_space<vmem>>, vector<1x8x800xf32>
    %get3A_93 = vector.shape_cast %get3A_92 : vector<1x8x800xf32> to vector<8x800xf32>
    %gt3A_94 = arith.cmpf ogt, %get3A_93, %select_n3A : vector<8x800xf32>
    %select_n3A_95 = arith.select %gt3A_94, %get3A_93, %select_n3A : vector<8x800xi1>, vector<8x800xf32>
    %jit3A_96 = arith.constant 2.000000e+00 : f32
    %broadcast_in_dim3A_97 = vector.broadcast %jit3A_96 : f32 to vector<8x800xf32>
    %select_n3A_98 = arith.select %gt3A_94, %broadcast_in_dim3A_97, %select_n3A_88 : vector<8x800xi1>, vector<8x800xf32>
    %get3A_99 = arith.constant 8 : index
    %get3A_100 = arith.constant 0 : index
    %get3A_101 = arith.constant 0 : index
    %get3A_102 = vector.load %arg0[%get3A_99, %get3A_100, %get3A_101] : memref<85x8x800xf32, #tpu.memory_space<vmem>>, vector<1x8x800xf32>
    %get3A_103 = vector.shape_cast %get3A_102 : vector<1x8x800xf32> to vector<8x800xf32>
    %gt3A_104 = arith.cmpf ogt, %get3A_103, %select_n3A_95 : vector<8x800xf32>
    %select_n3A_105 = arith.select %gt3A_104, %get3A_103, %select_n3A_95 : vector<8x800xi1>, vector<8x800xf32>
    %jit3A_106 = arith.constant 3.000000e+00 : f32
    %broadcast_in_dim3A_107 = vector.broadcast %jit3A_106 : f32 to vector<8x800xf32>
    %select_n3A_108 = arith.select %gt3A_104, %broadcast_in_dim3A_107, %select_n3A_98 : vector<8x800xi1>, vector<8x800xf32>
    %get3A_109 = arith.constant 9 : index
    %get3A_110 = arith.constant 0 : index
    %get3A_111 = arith.constant 0 : index
    %get3A_112 = vector.load %arg0[%get3A_109, %get3A_110, %get3A_111] : memref<85x8x800xf32, #tpu.memory_space<vmem>>, vector<1x8x800xf32>
    %get3A_113 = vector.shape_cast %get3A_112 : vector<1x8x800xf32> to vector<8x800xf32>
    %gt3A_114 = arith.cmpf ogt, %get3A_113, %select_n3A_105 : vector<8x800xf32>
    %select_n3A_115 = arith.select %gt3A_114, %get3A_113, %select_n3A_105 : vector<8x800xi1>, vector<8x800xf32>
    %jit3A_116 = arith.constant 4.000000e+00 : f32
    %broadcast_in_dim3A_117 = vector.broadcast %jit3A_116 : f32 to vector<8x800xf32>
    %select_n3A_118 = arith.select %gt3A_114, %broadcast_in_dim3A_117, %select_n3A_108 : vector<8x800xi1>, vector<8x800xf32>
    %get3A_119 = arith.constant 10 : index
    %get3A_120 = arith.constant 0 : index
    %get3A_121 = arith.constant 0 : index
    %get3A_122 = vector.load %arg0[%get3A_119, %get3A_120, %get3A_121] : memref<85x8x800xf32, #tpu.memory_space<vmem>>, vector<1x8x800xf32>
    %get3A_123 = vector.shape_cast %get3A_122 : vector<1x8x800xf32> to vector<8x800xf32>
    %gt3A_124 = arith.cmpf ogt, %get3A_123, %select_n3A_115 : vector<8x800xf32>
    %select_n3A_125 = arith.select %gt3A_124, %get3A_123, %select_n3A_115 : vector<8x800xi1>, vector<8x800xf32>
    %jit3A_126 = arith.constant 5.000000e+00 : f32
    %broadcast_in_dim3A_127 = vector.broadcast %jit3A_126 : f32 to vector<8x800xf32>
    %select_n3A_128 = arith.select %gt3A_124, %broadcast_in_dim3A_127, %select_n3A_118 : vector<8x800xi1>, vector<8x800xf32>
    %get3A_129 = arith.constant 11 : index
    %get3A_130 = arith.constant 0 : index
    %get3A_131 = arith.constant 0 : index
    %get3A_132 = vector.load %arg0[%get3A_129, %get3A_130, %get3A_131] : memref<85x8x800xf32, #tpu.memory_space<vmem>>, vector<1x8x800xf32>
    %get3A_133 = vector.shape_cast %get3A_132 : vector<1x8x800xf32> to vector<8x800xf32>
    %gt3A_134 = arith.cmpf ogt, %get3A_133, %select_n3A_125 : vector<8x800xf32>
    %select_n3A_135 = arith.select %gt3A_134, %get3A_133, %select_n3A_125 : vector<8x800xi1>, vector<8x800xf32>
    %jit3A_136 = arith.constant 6.000000e+00 : f32
    %broadcast_in_dim3A_137 = vector.broadcast %jit3A_136 : f32 to vector<8x800xf32>
    %select_n3A_138 = arith.select %gt3A_134, %broadcast_in_dim3A_137, %select_n3A_128 : vector<8x800xi1>, vector<8x800xf32>
    %get3A_139 = arith.constant 12 : index
    %get3A_140 = arith.constant 0 : index
    %get3A_141 = arith.constant 0 : index
    %get3A_142 = vector.load %arg0[%get3A_139, %get3A_140, %get3A_141] : memref<85x8x800xf32, #tpu.memory_space<vmem>>, vector<1x8x800xf32>
    %get3A_143 = vector.shape_cast %get3A_142 : vector<1x8x800xf32> to vector<8x800xf32>
    %gt3A_144 = arith.cmpf ogt, %get3A_143, %select_n3A_135 : vector<8x800xf32>
    %select_n3A_145 = arith.select %gt3A_144, %get3A_143, %select_n3A_135 : vector<8x800xi1>, vector<8x800xf32>
    %jit3A_146 = arith.constant 7.000000e+00 : f32
    %broadcast_in_dim3A_147 = vector.broadcast %jit3A_146 : f32 to vector<8x800xf32>
    %select_n3A_148 = arith.select %gt3A_144, %broadcast_in_dim3A_147, %select_n3A_138 : vector<8x800xi1>, vector<8x800xf32>
    %get3A_149 = arith.constant 13 : index
    %get3A_150 = arith.constant 0 : index
    %get3A_151 = arith.constant 0 : index
    %get3A_152 = vector.load %arg0[%get3A_149, %get3A_150, %get3A_151] : memref<85x8x800xf32, #tpu.memory_space<vmem>>, vector<1x8x800xf32>
    %get3A_153 = vector.shape_cast %get3A_152 : vector<1x8x800xf32> to vector<8x800xf32>
    %gt3A_154 = arith.cmpf ogt, %get3A_153, %select_n3A_145 : vector<8x800xf32>
    %select_n3A_155 = arith.select %gt3A_154, %get3A_153, %select_n3A_145 : vector<8x800xi1>, vector<8x800xf32>
    %jit3A_156 = arith.constant 8.000000e+00 : f32
    %broadcast_in_dim3A_157 = vector.broadcast %jit3A_156 : f32 to vector<8x800xf32>
    %select_n3A_158 = arith.select %gt3A_154, %broadcast_in_dim3A_157, %select_n3A_148 : vector<8x800xi1>, vector<8x800xf32>
    %get3A_159 = arith.constant 14 : index
    %get3A_160 = arith.constant 0 : index
    %get3A_161 = arith.constant 0 : index
    %get3A_162 = vector.load %arg0[%get3A_159, %get3A_160, %get3A_161] : memref<85x8x800xf32, #tpu.memory_space<vmem>>, vector<1x8x800xf32>
    %get3A_163 = vector.shape_cast %get3A_162 : vector<1x8x800xf32> to vector<8x800xf32>
    %gt3A_164 = arith.cmpf ogt, %get3A_163, %select_n3A_155 : vector<8x800xf32>
    %select_n3A_165 = arith.select %gt3A_164, %get3A_163, %select_n3A_155 : vector<8x800xi1>, vector<8x800xf32>
    %jit3A_166 = arith.constant 9.000000e+00 : f32
    %broadcast_in_dim3A_167 = vector.broadcast %jit3A_166 : f32 to vector<8x800xf32>
    %select_n3A_168 = arith.select %gt3A_164, %broadcast_in_dim3A_167, %select_n3A_158 : vector<8x800xi1>, vector<8x800xf32>
    %get3A_169 = arith.constant 15 : index
    %get3A_170 = arith.constant 0 : index
    %get3A_171 = arith.constant 0 : index
    %get3A_172 = vector.load %arg0[%get3A_169, %get3A_170, %get3A_171] : memref<85x8x800xf32, #tpu.memory_space<vmem>>, vector<1x8x800xf32>
    %get3A_173 = vector.shape_cast %get3A_172 : vector<1x8x800xf32> to vector<8x800xf32>
    %gt3A_174 = arith.cmpf ogt, %get3A_173, %select_n3A_165 : vector<8x800xf32>
    %select_n3A_175 = arith.select %gt3A_174, %get3A_173, %select_n3A_165 : vector<8x800xi1>, vector<8x800xf32>
    %jit3A_176 = arith.constant 1.000000e+01 : f32
    %broadcast_in_dim3A_177 = vector.broadcast %jit3A_176 : f32 to vector<8x800xf32>
    %select_n3A_178 = arith.select %gt3A_174, %broadcast_in_dim3A_177, %select_n3A_168 : vector<8x800xi1>, vector<8x800xf32>
    %get3A_179 = arith.constant 16 : index
    %get3A_180 = arith.constant 0 : index
    %get3A_181 = arith.constant 0 : index
    %get3A_182 = vector.load %arg0[%get3A_179, %get3A_180, %get3A_181] : memref<85x8x800xf32, #tpu.memory_space<vmem>>, vector<1x8x800xf32>
    %get3A_183 = vector.shape_cast %get3A_182 : vector<1x8x800xf32> to vector<8x800xf32>
    %gt3A_184 = arith.cmpf ogt, %get3A_183, %select_n3A_175 : vector<8x800xf32>
    %select_n3A_185 = arith.select %gt3A_184, %get3A_183, %select_n3A_175 : vector<8x800xi1>, vector<8x800xf32>
    %jit3A_186 = arith.constant 1.100000e+01 : f32
    %broadcast_in_dim3A_187 = vector.broadcast %jit3A_186 : f32 to vector<8x800xf32>
    %select_n3A_188 = arith.select %gt3A_184, %broadcast_in_dim3A_187, %select_n3A_178 : vector<8x800xi1>, vector<8x800xf32>
    %get3A_189 = arith.constant 17 : index
    %get3A_190 = arith.constant 0 : index
    %get3A_191 = arith.constant 0 : index
    %get3A_192 = vector.load %arg0[%get3A_189, %get3A_190, %get3A_191] : memref<85x8x800xf32, #tpu.memory_space<vmem>>, vector<1x8x800xf32>
    %get3A_193 = vector.shape_cast %get3A_192 : vector<1x8x800xf32> to vector<8x800xf32>
    %gt3A_194 = arith.cmpf ogt, %get3A_193, %select_n3A_185 : vector<8x800xf32>
    %select_n3A_195 = arith.select %gt3A_194, %get3A_193, %select_n3A_185 : vector<8x800xi1>, vector<8x800xf32>
    %jit3A_196 = arith.constant 1.200000e+01 : f32
    %broadcast_in_dim3A_197 = vector.broadcast %jit3A_196 : f32 to vector<8x800xf32>
    %select_n3A_198 = arith.select %gt3A_194, %broadcast_in_dim3A_197, %select_n3A_188 : vector<8x800xi1>, vector<8x800xf32>
    %get3A_199 = arith.constant 18 : index
    %get3A_200 = arith.constant 0 : index
    %get3A_201 = arith.constant 0 : index
    %get3A_202 = vector.load %arg0[%get3A_199, %get3A_200, %get3A_201] : memref<85x8x800xf32, #tpu.memory_space<vmem>>, vector<1x8x800xf32>
    %get3A_203 = vector.shape_cast %get3A_202 : vector<1x8x800xf32> to vector<8x800xf32>
    %gt3A_204 = arith.cmpf ogt, %get3A_203, %select_n3A_195 : vector<8x800xf32>
    %select_n3A_205 = arith.select %gt3A_204, %get3A_203, %select_n3A_195 : vector<8x800xi1>, vector<8x800xf32>
    %jit3A_206 = arith.constant 1.300000e+01 : f32
    %broadcast_in_dim3A_207 = vector.broadcast %jit3A_206 : f32 to vector<8x800xf32>
    %select_n3A_208 = arith.select %gt3A_204, %broadcast_in_dim3A_207, %select_n3A_198 : vector<8x800xi1>, vector<8x800xf32>
    %get3A_209 = arith.constant 19 : index
    %get3A_210 = arith.constant 0 : index
    %get3A_211 = arith.constant 0 : index
    %get3A_212 = vector.load %arg0[%get3A_209, %get3A_210, %get3A_211] : memref<85x8x800xf32, #tpu.memory_space<vmem>>, vector<1x8x800xf32>
    %get3A_213 = vector.shape_cast %get3A_212 : vector<1x8x800xf32> to vector<8x800xf32>
    %gt3A_214 = arith.cmpf ogt, %get3A_213, %select_n3A_205 : vector<8x800xf32>
    %select_n3A_215 = arith.select %gt3A_214, %get3A_213, %select_n3A_205 : vector<8x800xi1>, vector<8x800xf32>
    %jit3A_216 = arith.constant 1.400000e+01 : f32
    %broadcast_in_dim3A_217 = vector.broadcast %jit3A_216 : f32 to vector<8x800xf32>
    %select_n3A_218 = arith.select %gt3A_214, %broadcast_in_dim3A_217, %select_n3A_208 : vector<8x800xi1>, vector<8x800xf32>
    %get3A_219 = arith.constant 20 : index
    %get3A_220 = arith.constant 0 : index
    %get3A_221 = arith.constant 0 : index
    %get3A_222 = vector.load %arg0[%get3A_219, %get3A_220, %get3A_221] : memref<85x8x800xf32, #tpu.memory_space<vmem>>, vector<1x8x800xf32>
    %get3A_223 = vector.shape_cast %get3A_222 : vector<1x8x800xf32> to vector<8x800xf32>
    %gt3A_224 = arith.cmpf ogt, %get3A_223, %select_n3A_215 : vector<8x800xf32>
    %select_n3A_225 = arith.select %gt3A_224, %get3A_223, %select_n3A_215 : vector<8x800xi1>, vector<8x800xf32>
    %jit3A_226 = arith.constant 1.500000e+01 : f32
    %broadcast_in_dim3A_227 = vector.broadcast %jit3A_226 : f32 to vector<8x800xf32>
    %select_n3A_228 = arith.select %gt3A_224, %broadcast_in_dim3A_227, %select_n3A_218 : vector<8x800xi1>, vector<8x800xf32>
    %get3A_229 = arith.constant 21 : index
    %get3A_230 = arith.constant 0 : index
    %get3A_231 = arith.constant 0 : index
    %get3A_232 = vector.load %arg0[%get3A_229, %get3A_230, %get3A_231] : memref<85x8x800xf32, #tpu.memory_space<vmem>>, vector<1x8x800xf32>
    %get3A_233 = vector.shape_cast %get3A_232 : vector<1x8x800xf32> to vector<8x800xf32>
    %gt3A_234 = arith.cmpf ogt, %get3A_233, %select_n3A_225 : vector<8x800xf32>
    %select_n3A_235 = arith.select %gt3A_234, %get3A_233, %select_n3A_225 : vector<8x800xi1>, vector<8x800xf32>
    %jit3A_236 = arith.constant 1.600000e+01 : f32
    %broadcast_in_dim3A_237 = vector.broadcast %jit3A_236 : f32 to vector<8x800xf32>
    %select_n3A_238 = arith.select %gt3A_234, %broadcast_in_dim3A_237, %select_n3A_228 : vector<8x800xi1>, vector<8x800xf32>
    %get3A_239 = arith.constant 22 : index
    %get3A_240 = arith.constant 0 : index
    %get3A_241 = arith.constant 0 : index
    %get3A_242 = vector.load %arg0[%get3A_239, %get3A_240, %get3A_241] : memref<85x8x800xf32, #tpu.memory_space<vmem>>, vector<1x8x800xf32>
    %get3A_243 = vector.shape_cast %get3A_242 : vector<1x8x800xf32> to vector<8x800xf32>
    %gt3A_244 = arith.cmpf ogt, %get3A_243, %select_n3A_235 : vector<8x800xf32>
    %select_n3A_245 = arith.select %gt3A_244, %get3A_243, %select_n3A_235 : vector<8x800xi1>, vector<8x800xf32>
    %jit3A_246 = arith.constant 1.700000e+01 : f32
    %broadcast_in_dim3A_247 = vector.broadcast %jit3A_246 : f32 to vector<8x800xf32>
    %select_n3A_248 = arith.select %gt3A_244, %broadcast_in_dim3A_247, %select_n3A_238 : vector<8x800xi1>, vector<8x800xf32>
    %get3A_249 = arith.constant 23 : index
    %get3A_250 = arith.constant 0 : index
    %get3A_251 = arith.constant 0 : index
    %get3A_252 = vector.load %arg0[%get3A_249, %get3A_250, %get3A_251] : memref<85x8x800xf32, #tpu.memory_space<vmem>>, vector<1x8x800xf32>
    %get3A_253 = vector.shape_cast %get3A_252 : vector<1x8x800xf32> to vector<8x800xf32>
    %gt3A_254 = arith.cmpf ogt, %get3A_253, %select_n3A_245 : vector<8x800xf32>
    %select_n3A_255 = arith.select %gt3A_254, %get3A_253, %select_n3A_245 : vector<8x800xi1>, vector<8x800xf32>
    %jit3A_256 = arith.constant 1.800000e+01 : f32
    %broadcast_in_dim3A_257 = vector.broadcast %jit3A_256 : f32 to vector<8x800xf32>
    %select_n3A_258 = arith.select %gt3A_254, %broadcast_in_dim3A_257, %select_n3A_248 : vector<8x800xi1>, vector<8x800xf32>
    %get3A_259 = arith.constant 24 : index
    %get3A_260 = arith.constant 0 : index
    %get3A_261 = arith.constant 0 : index
    %get3A_262 = vector.load %arg0[%get3A_259, %get3A_260, %get3A_261] : memref<85x8x800xf32, #tpu.memory_space<vmem>>, vector<1x8x800xf32>
    %get3A_263 = vector.shape_cast %get3A_262 : vector<1x8x800xf32> to vector<8x800xf32>
    %gt3A_264 = arith.cmpf ogt, %get3A_263, %select_n3A_255 : vector<8x800xf32>
    %select_n3A_265 = arith.select %gt3A_264, %get3A_263, %select_n3A_255 : vector<8x800xi1>, vector<8x800xf32>
    %jit3A_266 = arith.constant 1.900000e+01 : f32
    %broadcast_in_dim3A_267 = vector.broadcast %jit3A_266 : f32 to vector<8x800xf32>
    %select_n3A_268 = arith.select %gt3A_264, %broadcast_in_dim3A_267, %select_n3A_258 : vector<8x800xi1>, vector<8x800xf32>
    %get3A_269 = arith.constant 25 : index
    %get3A_270 = arith.constant 0 : index
    %get3A_271 = arith.constant 0 : index
    %get3A_272 = vector.load %arg0[%get3A_269, %get3A_270, %get3A_271] : memref<85x8x800xf32, #tpu.memory_space<vmem>>, vector<1x8x800xf32>
    %get3A_273 = vector.shape_cast %get3A_272 : vector<1x8x800xf32> to vector<8x800xf32>
    %gt3A_274 = arith.cmpf ogt, %get3A_273, %select_n3A_265 : vector<8x800xf32>
    %select_n3A_275 = arith.select %gt3A_274, %get3A_273, %select_n3A_265 : vector<8x800xi1>, vector<8x800xf32>
    %jit3A_276 = arith.constant 2.000000e+01 : f32
    %broadcast_in_dim3A_277 = vector.broadcast %jit3A_276 : f32 to vector<8x800xf32>
    %select_n3A_278 = arith.select %gt3A_274, %broadcast_in_dim3A_277, %select_n3A_268 : vector<8x800xi1>, vector<8x800xf32>
    %get3A_279 = arith.constant 26 : index
    %get3A_280 = arith.constant 0 : index
    %get3A_281 = arith.constant 0 : index
    %get3A_282 = vector.load %arg0[%get3A_279, %get3A_280, %get3A_281] : memref<85x8x800xf32, #tpu.memory_space<vmem>>, vector<1x8x800xf32>
    %get3A_283 = vector.shape_cast %get3A_282 : vector<1x8x800xf32> to vector<8x800xf32>
    %gt3A_284 = arith.cmpf ogt, %get3A_283, %select_n3A_275 : vector<8x800xf32>
    %select_n3A_285 = arith.select %gt3A_284, %get3A_283, %select_n3A_275 : vector<8x800xi1>, vector<8x800xf32>
    %jit3A_286 = arith.constant 2.100000e+01 : f32
    %broadcast_in_dim3A_287 = vector.broadcast %jit3A_286 : f32 to vector<8x800xf32>
    %select_n3A_288 = arith.select %gt3A_284, %broadcast_in_dim3A_287, %select_n3A_278 : vector<8x800xi1>, vector<8x800xf32>
    %get3A_289 = arith.constant 27 : index
    %get3A_290 = arith.constant 0 : index
    %get3A_291 = arith.constant 0 : index
    %get3A_292 = vector.load %arg0[%get3A_289, %get3A_290, %get3A_291] : memref<85x8x800xf32, #tpu.memory_space<vmem>>, vector<1x8x800xf32>
    %get3A_293 = vector.shape_cast %get3A_292 : vector<1x8x800xf32> to vector<8x800xf32>
    %gt3A_294 = arith.cmpf ogt, %get3A_293, %select_n3A_285 : vector<8x800xf32>
    %select_n3A_295 = arith.select %gt3A_294, %get3A_293, %select_n3A_285 : vector<8x800xi1>, vector<8x800xf32>
    %jit3A_296 = arith.constant 2.200000e+01 : f32
    %broadcast_in_dim3A_297 = vector.broadcast %jit3A_296 : f32 to vector<8x800xf32>
    %select_n3A_298 = arith.select %gt3A_294, %broadcast_in_dim3A_297, %select_n3A_288 : vector<8x800xi1>, vector<8x800xf32>
    %get3A_299 = arith.constant 28 : index
    %get3A_300 = arith.constant 0 : index
    %get3A_301 = arith.constant 0 : index
    %get3A_302 = vector.load %arg0[%get3A_299, %get3A_300, %get3A_301] : memref<85x8x800xf32, #tpu.memory_space<vmem>>, vector<1x8x800xf32>
    %get3A_303 = vector.shape_cast %get3A_302 : vector<1x8x800xf32> to vector<8x800xf32>
    %gt3A_304 = arith.cmpf ogt, %get3A_303, %select_n3A_295 : vector<8x800xf32>
    %select_n3A_305 = arith.select %gt3A_304, %get3A_303, %select_n3A_295 : vector<8x800xi1>, vector<8x800xf32>
    %jit3A_306 = arith.constant 2.300000e+01 : f32
    %broadcast_in_dim3A_307 = vector.broadcast %jit3A_306 : f32 to vector<8x800xf32>
    %select_n3A_308 = arith.select %gt3A_304, %broadcast_in_dim3A_307, %select_n3A_298 : vector<8x800xi1>, vector<8x800xf32>
    %get3A_309 = arith.constant 29 : index
    %get3A_310 = arith.constant 0 : index
    %get3A_311 = arith.constant 0 : index
    %get3A_312 = vector.load %arg0[%get3A_309, %get3A_310, %get3A_311] : memref<85x8x800xf32, #tpu.memory_space<vmem>>, vector<1x8x800xf32>
    %get3A_313 = vector.shape_cast %get3A_312 : vector<1x8x800xf32> to vector<8x800xf32>
    %gt3A_314 = arith.cmpf ogt, %get3A_313, %select_n3A_305 : vector<8x800xf32>
    %select_n3A_315 = arith.select %gt3A_314, %get3A_313, %select_n3A_305 : vector<8x800xi1>, vector<8x800xf32>
    %jit3A_316 = arith.constant 2.400000e+01 : f32
    %broadcast_in_dim3A_317 = vector.broadcast %jit3A_316 : f32 to vector<8x800xf32>
    %select_n3A_318 = arith.select %gt3A_314, %broadcast_in_dim3A_317, %select_n3A_308 : vector<8x800xi1>, vector<8x800xf32>
    %get3A_319 = arith.constant 30 : index
    %get3A_320 = arith.constant 0 : index
    %get3A_321 = arith.constant 0 : index
    %get3A_322 = vector.load %arg0[%get3A_319, %get3A_320, %get3A_321] : memref<85x8x800xf32, #tpu.memory_space<vmem>>, vector<1x8x800xf32>
    %get3A_323 = vector.shape_cast %get3A_322 : vector<1x8x800xf32> to vector<8x800xf32>
    %gt3A_324 = arith.cmpf ogt, %get3A_323, %select_n3A_315 : vector<8x800xf32>
    %select_n3A_325 = arith.select %gt3A_324, %get3A_323, %select_n3A_315 : vector<8x800xi1>, vector<8x800xf32>
    %jit3A_326 = arith.constant 2.500000e+01 : f32
    %broadcast_in_dim3A_327 = vector.broadcast %jit3A_326 : f32 to vector<8x800xf32>
    %select_n3A_328 = arith.select %gt3A_324, %broadcast_in_dim3A_327, %select_n3A_318 : vector<8x800xi1>, vector<8x800xf32>
    %get3A_329 = arith.constant 31 : index
    %get3A_330 = arith.constant 0 : index
    %get3A_331 = arith.constant 0 : index
    %get3A_332 = vector.load %arg0[%get3A_329, %get3A_330, %get3A_331] : memref<85x8x800xf32, #tpu.memory_space<vmem>>, vector<1x8x800xf32>
    %get3A_333 = vector.shape_cast %get3A_332 : vector<1x8x800xf32> to vector<8x800xf32>
    %gt3A_334 = arith.cmpf ogt, %get3A_333, %select_n3A_325 : vector<8x800xf32>
    %select_n3A_335 = arith.select %gt3A_334, %get3A_333, %select_n3A_325 : vector<8x800xi1>, vector<8x800xf32>
    %jit3A_336 = arith.constant 2.600000e+01 : f32
    %broadcast_in_dim3A_337 = vector.broadcast %jit3A_336 : f32 to vector<8x800xf32>
    %select_n3A_338 = arith.select %gt3A_334, %broadcast_in_dim3A_337, %select_n3A_328 : vector<8x800xi1>, vector<8x800xf32>
    %get3A_339 = arith.constant 32 : index
    %get3A_340 = arith.constant 0 : index
    %get3A_341 = arith.constant 0 : index
    %get3A_342 = vector.load %arg0[%get3A_339, %get3A_340, %get3A_341] : memref<85x8x800xf32, #tpu.memory_space<vmem>>, vector<1x8x800xf32>
    %get3A_343 = vector.shape_cast %get3A_342 : vector<1x8x800xf32> to vector<8x800xf32>
    %gt3A_344 = arith.cmpf ogt, %get3A_343, %select_n3A_335 : vector<8x800xf32>
    %select_n3A_345 = arith.select %gt3A_344, %get3A_343, %select_n3A_335 : vector<8x800xi1>, vector<8x800xf32>
    %jit3A_346 = arith.constant 2.700000e+01 : f32
    %broadcast_in_dim3A_347 = vector.broadcast %jit3A_346 : f32 to vector<8x800xf32>
    %select_n3A_348 = arith.select %gt3A_344, %broadcast_in_dim3A_347, %select_n3A_338 : vector<8x800xi1>, vector<8x800xf32>
    %get3A_349 = arith.constant 33 : index
    %get3A_350 = arith.constant 0 : index
    %get3A_351 = arith.constant 0 : index
    %get3A_352 = vector.load %arg0[%get3A_349, %get3A_350, %get3A_351] : memref<85x8x800xf32, #tpu.memory_space<vmem>>, vector<1x8x800xf32>
    %get3A_353 = vector.shape_cast %get3A_352 : vector<1x8x800xf32> to vector<8x800xf32>
    %gt3A_354 = arith.cmpf ogt, %get3A_353, %select_n3A_345 : vector<8x800xf32>
    %select_n3A_355 = arith.select %gt3A_354, %get3A_353, %select_n3A_345 : vector<8x800xi1>, vector<8x800xf32>
    %jit3A_356 = arith.constant 2.800000e+01 : f32
    %broadcast_in_dim3A_357 = vector.broadcast %jit3A_356 : f32 to vector<8x800xf32>
    %select_n3A_358 = arith.select %gt3A_354, %broadcast_in_dim3A_357, %select_n3A_348 : vector<8x800xi1>, vector<8x800xf32>
    %get3A_359 = arith.constant 34 : index
    %get3A_360 = arith.constant 0 : index
    %get3A_361 = arith.constant 0 : index
    %get3A_362 = vector.load %arg0[%get3A_359, %get3A_360, %get3A_361] : memref<85x8x800xf32, #tpu.memory_space<vmem>>, vector<1x8x800xf32>
    %get3A_363 = vector.shape_cast %get3A_362 : vector<1x8x800xf32> to vector<8x800xf32>
    %gt3A_364 = arith.cmpf ogt, %get3A_363, %select_n3A_355 : vector<8x800xf32>
    %select_n3A_365 = arith.select %gt3A_364, %get3A_363, %select_n3A_355 : vector<8x800xi1>, vector<8x800xf32>
    %jit3A_366 = arith.constant 2.900000e+01 : f32
    %broadcast_in_dim3A_367 = vector.broadcast %jit3A_366 : f32 to vector<8x800xf32>
    %select_n3A_368 = arith.select %gt3A_364, %broadcast_in_dim3A_367, %select_n3A_358 : vector<8x800xi1>, vector<8x800xf32>
    %get3A_369 = arith.constant 35 : index
    %get3A_370 = arith.constant 0 : index
    %get3A_371 = arith.constant 0 : index
    %get3A_372 = vector.load %arg0[%get3A_369, %get3A_370, %get3A_371] : memref<85x8x800xf32, #tpu.memory_space<vmem>>, vector<1x8x800xf32>
    %get3A_373 = vector.shape_cast %get3A_372 : vector<1x8x800xf32> to vector<8x800xf32>
    %gt3A_374 = arith.cmpf ogt, %get3A_373, %select_n3A_365 : vector<8x800xf32>
    %select_n3A_375 = arith.select %gt3A_374, %get3A_373, %select_n3A_365 : vector<8x800xi1>, vector<8x800xf32>
    %jit3A_376 = arith.constant 3.000000e+01 : f32
    %broadcast_in_dim3A_377 = vector.broadcast %jit3A_376 : f32 to vector<8x800xf32>
    %select_n3A_378 = arith.select %gt3A_374, %broadcast_in_dim3A_377, %select_n3A_368 : vector<8x800xi1>, vector<8x800xf32>
    %get3A_379 = arith.constant 36 : index
    %get3A_380 = arith.constant 0 : index
    %get3A_381 = arith.constant 0 : index
    %get3A_382 = vector.load %arg0[%get3A_379, %get3A_380, %get3A_381] : memref<85x8x800xf32, #tpu.memory_space<vmem>>, vector<1x8x800xf32>
    %get3A_383 = vector.shape_cast %get3A_382 : vector<1x8x800xf32> to vector<8x800xf32>
    %gt3A_384 = arith.cmpf ogt, %get3A_383, %select_n3A_375 : vector<8x800xf32>
    %select_n3A_385 = arith.select %gt3A_384, %get3A_383, %select_n3A_375 : vector<8x800xi1>, vector<8x800xf32>
    %jit3A_386 = arith.constant 3.100000e+01 : f32
    %broadcast_in_dim3A_387 = vector.broadcast %jit3A_386 : f32 to vector<8x800xf32>
    %select_n3A_388 = arith.select %gt3A_384, %broadcast_in_dim3A_387, %select_n3A_378 : vector<8x800xi1>, vector<8x800xf32>
    %get3A_389 = arith.constant 37 : index
    %get3A_390 = arith.constant 0 : index
    %get3A_391 = arith.constant 0 : index
    %get3A_392 = vector.load %arg0[%get3A_389, %get3A_390, %get3A_391] : memref<85x8x800xf32, #tpu.memory_space<vmem>>, vector<1x8x800xf32>
    %get3A_393 = vector.shape_cast %get3A_392 : vector<1x8x800xf32> to vector<8x800xf32>
    %gt3A_394 = arith.cmpf ogt, %get3A_393, %select_n3A_385 : vector<8x800xf32>
    %select_n3A_395 = arith.select %gt3A_394, %get3A_393, %select_n3A_385 : vector<8x800xi1>, vector<8x800xf32>
    %jit3A_396 = arith.constant 3.200000e+01 : f32
    %broadcast_in_dim3A_397 = vector.broadcast %jit3A_396 : f32 to vector<8x800xf32>
    %select_n3A_398 = arith.select %gt3A_394, %broadcast_in_dim3A_397, %select_n3A_388 : vector<8x800xi1>, vector<8x800xf32>
    %get3A_399 = arith.constant 38 : index
    %get3A_400 = arith.constant 0 : index
    %get3A_401 = arith.constant 0 : index
    %get3A_402 = vector.load %arg0[%get3A_399, %get3A_400, %get3A_401] : memref<85x8x800xf32, #tpu.memory_space<vmem>>, vector<1x8x800xf32>
    %get3A_403 = vector.shape_cast %get3A_402 : vector<1x8x800xf32> to vector<8x800xf32>
    %gt3A_404 = arith.cmpf ogt, %get3A_403, %select_n3A_395 : vector<8x800xf32>
    %select_n3A_405 = arith.select %gt3A_404, %get3A_403, %select_n3A_395 : vector<8x800xi1>, vector<8x800xf32>
    %jit3A_406 = arith.constant 3.300000e+01 : f32
    %broadcast_in_dim3A_407 = vector.broadcast %jit3A_406 : f32 to vector<8x800xf32>
    %select_n3A_408 = arith.select %gt3A_404, %broadcast_in_dim3A_407, %select_n3A_398 : vector<8x800xi1>, vector<8x800xf32>
    %get3A_409 = arith.constant 39 : index
    %get3A_410 = arith.constant 0 : index
    %get3A_411 = arith.constant 0 : index
    %get3A_412 = vector.load %arg0[%get3A_409, %get3A_410, %get3A_411] : memref<85x8x800xf32, #tpu.memory_space<vmem>>, vector<1x8x800xf32>
    %get3A_413 = vector.shape_cast %get3A_412 : vector<1x8x800xf32> to vector<8x800xf32>
    %gt3A_414 = arith.cmpf ogt, %get3A_413, %select_n3A_405 : vector<8x800xf32>
    %select_n3A_415 = arith.select %gt3A_414, %get3A_413, %select_n3A_405 : vector<8x800xi1>, vector<8x800xf32>
    %jit3A_416 = arith.constant 3.400000e+01 : f32
    %broadcast_in_dim3A_417 = vector.broadcast %jit3A_416 : f32 to vector<8x800xf32>
    %select_n3A_418 = arith.select %gt3A_414, %broadcast_in_dim3A_417, %select_n3A_408 : vector<8x800xi1>, vector<8x800xf32>
    %get3A_419 = arith.constant 40 : index
    %get3A_420 = arith.constant 0 : index
    %get3A_421 = arith.constant 0 : index
    %get3A_422 = vector.load %arg0[%get3A_419, %get3A_420, %get3A_421] : memref<85x8x800xf32, #tpu.memory_space<vmem>>, vector<1x8x800xf32>
    %get3A_423 = vector.shape_cast %get3A_422 : vector<1x8x800xf32> to vector<8x800xf32>
    %gt3A_424 = arith.cmpf ogt, %get3A_423, %select_n3A_415 : vector<8x800xf32>
    %select_n3A_425 = arith.select %gt3A_424, %get3A_423, %select_n3A_415 : vector<8x800xi1>, vector<8x800xf32>
    %jit3A_426 = arith.constant 3.500000e+01 : f32
    %broadcast_in_dim3A_427 = vector.broadcast %jit3A_426 : f32 to vector<8x800xf32>
    %select_n3A_428 = arith.select %gt3A_424, %broadcast_in_dim3A_427, %select_n3A_418 : vector<8x800xi1>, vector<8x800xf32>
    %get3A_429 = arith.constant 41 : index
    %get3A_430 = arith.constant 0 : index
    %get3A_431 = arith.constant 0 : index
    %get3A_432 = vector.load %arg0[%get3A_429, %get3A_430, %get3A_431] : memref<85x8x800xf32, #tpu.memory_space<vmem>>, vector<1x8x800xf32>
    %get3A_433 = vector.shape_cast %get3A_432 : vector<1x8x800xf32> to vector<8x800xf32>
    %gt3A_434 = arith.cmpf ogt, %get3A_433, %select_n3A_425 : vector<8x800xf32>
    %select_n3A_435 = arith.select %gt3A_434, %get3A_433, %select_n3A_425 : vector<8x800xi1>, vector<8x800xf32>
    %jit3A_436 = arith.constant 3.600000e+01 : f32
    %broadcast_in_dim3A_437 = vector.broadcast %jit3A_436 : f32 to vector<8x800xf32>
    %select_n3A_438 = arith.select %gt3A_434, %broadcast_in_dim3A_437, %select_n3A_428 : vector<8x800xi1>, vector<8x800xf32>
    %get3A_439 = arith.constant 42 : index
    %get3A_440 = arith.constant 0 : index
    %get3A_441 = arith.constant 0 : index
    %get3A_442 = vector.load %arg0[%get3A_439, %get3A_440, %get3A_441] : memref<85x8x800xf32, #tpu.memory_space<vmem>>, vector<1x8x800xf32>
    %get3A_443 = vector.shape_cast %get3A_442 : vector<1x8x800xf32> to vector<8x800xf32>
    %gt3A_444 = arith.cmpf ogt, %get3A_443, %select_n3A_435 : vector<8x800xf32>
    %select_n3A_445 = arith.select %gt3A_444, %get3A_443, %select_n3A_435 : vector<8x800xi1>, vector<8x800xf32>
    %jit3A_446 = arith.constant 3.700000e+01 : f32
    %broadcast_in_dim3A_447 = vector.broadcast %jit3A_446 : f32 to vector<8x800xf32>
    %select_n3A_448 = arith.select %gt3A_444, %broadcast_in_dim3A_447, %select_n3A_438 : vector<8x800xi1>, vector<8x800xf32>
    %get3A_449 = arith.constant 43 : index
    %get3A_450 = arith.constant 0 : index
    %get3A_451 = arith.constant 0 : index
    %get3A_452 = vector.load %arg0[%get3A_449, %get3A_450, %get3A_451] : memref<85x8x800xf32, #tpu.memory_space<vmem>>, vector<1x8x800xf32>
    %get3A_453 = vector.shape_cast %get3A_452 : vector<1x8x800xf32> to vector<8x800xf32>
    %gt3A_454 = arith.cmpf ogt, %get3A_453, %select_n3A_445 : vector<8x800xf32>
    %select_n3A_455 = arith.select %gt3A_454, %get3A_453, %select_n3A_445 : vector<8x800xi1>, vector<8x800xf32>
    %jit3A_456 = arith.constant 3.800000e+01 : f32
    %broadcast_in_dim3A_457 = vector.broadcast %jit3A_456 : f32 to vector<8x800xf32>
    %select_n3A_458 = arith.select %gt3A_454, %broadcast_in_dim3A_457, %select_n3A_448 : vector<8x800xi1>, vector<8x800xf32>
    %get3A_459 = arith.constant 44 : index
    %get3A_460 = arith.constant 0 : index
    %get3A_461 = arith.constant 0 : index
    %get3A_462 = vector.load %arg0[%get3A_459, %get3A_460, %get3A_461] : memref<85x8x800xf32, #tpu.memory_space<vmem>>, vector<1x8x800xf32>
    %get3A_463 = vector.shape_cast %get3A_462 : vector<1x8x800xf32> to vector<8x800xf32>
    %gt3A_464 = arith.cmpf ogt, %get3A_463, %select_n3A_455 : vector<8x800xf32>
    %select_n3A_465 = arith.select %gt3A_464, %get3A_463, %select_n3A_455 : vector<8x800xi1>, vector<8x800xf32>
    %jit3A_466 = arith.constant 3.900000e+01 : f32
    %broadcast_in_dim3A_467 = vector.broadcast %jit3A_466 : f32 to vector<8x800xf32>
    %select_n3A_468 = arith.select %gt3A_464, %broadcast_in_dim3A_467, %select_n3A_458 : vector<8x800xi1>, vector<8x800xf32>
    %get3A_469 = arith.constant 45 : index
    %get3A_470 = arith.constant 0 : index
    %get3A_471 = arith.constant 0 : index
    %get3A_472 = vector.load %arg0[%get3A_469, %get3A_470, %get3A_471] : memref<85x8x800xf32, #tpu.memory_space<vmem>>, vector<1x8x800xf32>
    %get3A_473 = vector.shape_cast %get3A_472 : vector<1x8x800xf32> to vector<8x800xf32>
    %gt3A_474 = arith.cmpf ogt, %get3A_473, %select_n3A_465 : vector<8x800xf32>
    %select_n3A_475 = arith.select %gt3A_474, %get3A_473, %select_n3A_465 : vector<8x800xi1>, vector<8x800xf32>
    %jit3A_476 = arith.constant 4.000000e+01 : f32
    %broadcast_in_dim3A_477 = vector.broadcast %jit3A_476 : f32 to vector<8x800xf32>
    %select_n3A_478 = arith.select %gt3A_474, %broadcast_in_dim3A_477, %select_n3A_468 : vector<8x800xi1>, vector<8x800xf32>
    %get3A_479 = arith.constant 46 : index
    %get3A_480 = arith.constant 0 : index
    %get3A_481 = arith.constant 0 : index
    %get3A_482 = vector.load %arg0[%get3A_479, %get3A_480, %get3A_481] : memref<85x8x800xf32, #tpu.memory_space<vmem>>, vector<1x8x800xf32>
    %get3A_483 = vector.shape_cast %get3A_482 : vector<1x8x800xf32> to vector<8x800xf32>
    %gt3A_484 = arith.cmpf ogt, %get3A_483, %select_n3A_475 : vector<8x800xf32>
    %select_n3A_485 = arith.select %gt3A_484, %get3A_483, %select_n3A_475 : vector<8x800xi1>, vector<8x800xf32>
    %jit3A_486 = arith.constant 4.100000e+01 : f32
    %broadcast_in_dim3A_487 = vector.broadcast %jit3A_486 : f32 to vector<8x800xf32>
    %select_n3A_488 = arith.select %gt3A_484, %broadcast_in_dim3A_487, %select_n3A_478 : vector<8x800xi1>, vector<8x800xf32>
    %get3A_489 = arith.constant 47 : index
    %get3A_490 = arith.constant 0 : index
    %get3A_491 = arith.constant 0 : index
    %get3A_492 = vector.load %arg0[%get3A_489, %get3A_490, %get3A_491] : memref<85x8x800xf32, #tpu.memory_space<vmem>>, vector<1x8x800xf32>
    %get3A_493 = vector.shape_cast %get3A_492 : vector<1x8x800xf32> to vector<8x800xf32>
    %gt3A_494 = arith.cmpf ogt, %get3A_493, %select_n3A_485 : vector<8x800xf32>
    %select_n3A_495 = arith.select %gt3A_494, %get3A_493, %select_n3A_485 : vector<8x800xi1>, vector<8x800xf32>
    %jit3A_496 = arith.constant 4.200000e+01 : f32
    %broadcast_in_dim3A_497 = vector.broadcast %jit3A_496 : f32 to vector<8x800xf32>
    %select_n3A_498 = arith.select %gt3A_494, %broadcast_in_dim3A_497, %select_n3A_488 : vector<8x800xi1>, vector<8x800xf32>
    %get3A_499 = arith.constant 48 : index
    %get3A_500 = arith.constant 0 : index
    %get3A_501 = arith.constant 0 : index
    %get3A_502 = vector.load %arg0[%get3A_499, %get3A_500, %get3A_501] : memref<85x8x800xf32, #tpu.memory_space<vmem>>, vector<1x8x800xf32>
    %get3A_503 = vector.shape_cast %get3A_502 : vector<1x8x800xf32> to vector<8x800xf32>
    %gt3A_504 = arith.cmpf ogt, %get3A_503, %select_n3A_495 : vector<8x800xf32>
    %select_n3A_505 = arith.select %gt3A_504, %get3A_503, %select_n3A_495 : vector<8x800xi1>, vector<8x800xf32>
    %jit3A_506 = arith.constant 4.300000e+01 : f32
    %broadcast_in_dim3A_507 = vector.broadcast %jit3A_506 : f32 to vector<8x800xf32>
    %select_n3A_508 = arith.select %gt3A_504, %broadcast_in_dim3A_507, %select_n3A_498 : vector<8x800xi1>, vector<8x800xf32>
    %get3A_509 = arith.constant 49 : index
    %get3A_510 = arith.constant 0 : index
    %get3A_511 = arith.constant 0 : index
    %get3A_512 = vector.load %arg0[%get3A_509, %get3A_510, %get3A_511] : memref<85x8x800xf32, #tpu.memory_space<vmem>>, vector<1x8x800xf32>
    %get3A_513 = vector.shape_cast %get3A_512 : vector<1x8x800xf32> to vector<8x800xf32>
    %gt3A_514 = arith.cmpf ogt, %get3A_513, %select_n3A_505 : vector<8x800xf32>
    %select_n3A_515 = arith.select %gt3A_514, %get3A_513, %select_n3A_505 : vector<8x800xi1>, vector<8x800xf32>
    %jit3A_516 = arith.constant 4.400000e+01 : f32
    %broadcast_in_dim3A_517 = vector.broadcast %jit3A_516 : f32 to vector<8x800xf32>
    %select_n3A_518 = arith.select %gt3A_514, %broadcast_in_dim3A_517, %select_n3A_508 : vector<8x800xi1>, vector<8x800xf32>
    %get3A_519 = arith.constant 50 : index
    %get3A_520 = arith.constant 0 : index
    %get3A_521 = arith.constant 0 : index
    %get3A_522 = vector.load %arg0[%get3A_519, %get3A_520, %get3A_521] : memref<85x8x800xf32, #tpu.memory_space<vmem>>, vector<1x8x800xf32>
    %get3A_523 = vector.shape_cast %get3A_522 : vector<1x8x800xf32> to vector<8x800xf32>
    %gt3A_524 = arith.cmpf ogt, %get3A_523, %select_n3A_515 : vector<8x800xf32>
    %select_n3A_525 = arith.select %gt3A_524, %get3A_523, %select_n3A_515 : vector<8x800xi1>, vector<8x800xf32>
    %jit3A_526 = arith.constant 4.500000e+01 : f32
    %broadcast_in_dim3A_527 = vector.broadcast %jit3A_526 : f32 to vector<8x800xf32>
    %select_n3A_528 = arith.select %gt3A_524, %broadcast_in_dim3A_527, %select_n3A_518 : vector<8x800xi1>, vector<8x800xf32>
    %get3A_529 = arith.constant 51 : index
    %get3A_530 = arith.constant 0 : index
    %get3A_531 = arith.constant 0 : index
    %get3A_532 = vector.load %arg0[%get3A_529, %get3A_530, %get3A_531] : memref<85x8x800xf32, #tpu.memory_space<vmem>>, vector<1x8x800xf32>
    %get3A_533 = vector.shape_cast %get3A_532 : vector<1x8x800xf32> to vector<8x800xf32>
    %gt3A_534 = arith.cmpf ogt, %get3A_533, %select_n3A_525 : vector<8x800xf32>
    %select_n3A_535 = arith.select %gt3A_534, %get3A_533, %select_n3A_525 : vector<8x800xi1>, vector<8x800xf32>
    %jit3A_536 = arith.constant 4.600000e+01 : f32
    %broadcast_in_dim3A_537 = vector.broadcast %jit3A_536 : f32 to vector<8x800xf32>
    %select_n3A_538 = arith.select %gt3A_534, %broadcast_in_dim3A_537, %select_n3A_528 : vector<8x800xi1>, vector<8x800xf32>
    %get3A_539 = arith.constant 52 : index
    %get3A_540 = arith.constant 0 : index
    %get3A_541 = arith.constant 0 : index
    %get3A_542 = vector.load %arg0[%get3A_539, %get3A_540, %get3A_541] : memref<85x8x800xf32, #tpu.memory_space<vmem>>, vector<1x8x800xf32>
    %get3A_543 = vector.shape_cast %get3A_542 : vector<1x8x800xf32> to vector<8x800xf32>
    %gt3A_544 = arith.cmpf ogt, %get3A_543, %select_n3A_535 : vector<8x800xf32>
    %select_n3A_545 = arith.select %gt3A_544, %get3A_543, %select_n3A_535 : vector<8x800xi1>, vector<8x800xf32>
    %jit3A_546 = arith.constant 4.700000e+01 : f32
    %broadcast_in_dim3A_547 = vector.broadcast %jit3A_546 : f32 to vector<8x800xf32>
    %select_n3A_548 = arith.select %gt3A_544, %broadcast_in_dim3A_547, %select_n3A_538 : vector<8x800xi1>, vector<8x800xf32>
    %get3A_549 = arith.constant 53 : index
    %get3A_550 = arith.constant 0 : index
    %get3A_551 = arith.constant 0 : index
    %get3A_552 = vector.load %arg0[%get3A_549, %get3A_550, %get3A_551] : memref<85x8x800xf32, #tpu.memory_space<vmem>>, vector<1x8x800xf32>
    %get3A_553 = vector.shape_cast %get3A_552 : vector<1x8x800xf32> to vector<8x800xf32>
    %gt3A_554 = arith.cmpf ogt, %get3A_553, %select_n3A_545 : vector<8x800xf32>
    %select_n3A_555 = arith.select %gt3A_554, %get3A_553, %select_n3A_545 : vector<8x800xi1>, vector<8x800xf32>
    %jit3A_556 = arith.constant 4.800000e+01 : f32
    %broadcast_in_dim3A_557 = vector.broadcast %jit3A_556 : f32 to vector<8x800xf32>
    %select_n3A_558 = arith.select %gt3A_554, %broadcast_in_dim3A_557, %select_n3A_548 : vector<8x800xi1>, vector<8x800xf32>
    %get3A_559 = arith.constant 54 : index
    %get3A_560 = arith.constant 0 : index
    %get3A_561 = arith.constant 0 : index
    %get3A_562 = vector.load %arg0[%get3A_559, %get3A_560, %get3A_561] : memref<85x8x800xf32, #tpu.memory_space<vmem>>, vector<1x8x800xf32>
    %get3A_563 = vector.shape_cast %get3A_562 : vector<1x8x800xf32> to vector<8x800xf32>
    %gt3A_564 = arith.cmpf ogt, %get3A_563, %select_n3A_555 : vector<8x800xf32>
    %select_n3A_565 = arith.select %gt3A_564, %get3A_563, %select_n3A_555 : vector<8x800xi1>, vector<8x800xf32>
    %jit3A_566 = arith.constant 4.900000e+01 : f32
    %broadcast_in_dim3A_567 = vector.broadcast %jit3A_566 : f32 to vector<8x800xf32>
    %select_n3A_568 = arith.select %gt3A_564, %broadcast_in_dim3A_567, %select_n3A_558 : vector<8x800xi1>, vector<8x800xf32>
    %get3A_569 = arith.constant 55 : index
    %get3A_570 = arith.constant 0 : index
    %get3A_571 = arith.constant 0 : index
    %get3A_572 = vector.load %arg0[%get3A_569, %get3A_570, %get3A_571] : memref<85x8x800xf32, #tpu.memory_space<vmem>>, vector<1x8x800xf32>
    %get3A_573 = vector.shape_cast %get3A_572 : vector<1x8x800xf32> to vector<8x800xf32>
    %gt3A_574 = arith.cmpf ogt, %get3A_573, %select_n3A_565 : vector<8x800xf32>
    %select_n3A_575 = arith.select %gt3A_574, %get3A_573, %select_n3A_565 : vector<8x800xi1>, vector<8x800xf32>
    %jit3A_576 = arith.constant 5.000000e+01 : f32
    %broadcast_in_dim3A_577 = vector.broadcast %jit3A_576 : f32 to vector<8x800xf32>
    %select_n3A_578 = arith.select %gt3A_574, %broadcast_in_dim3A_577, %select_n3A_568 : vector<8x800xi1>, vector<8x800xf32>
    %get3A_579 = arith.constant 56 : index
    %get3A_580 = arith.constant 0 : index
    %get3A_581 = arith.constant 0 : index
    %get3A_582 = vector.load %arg0[%get3A_579, %get3A_580, %get3A_581] : memref<85x8x800xf32, #tpu.memory_space<vmem>>, vector<1x8x800xf32>
    %get3A_583 = vector.shape_cast %get3A_582 : vector<1x8x800xf32> to vector<8x800xf32>
    %gt3A_584 = arith.cmpf ogt, %get3A_583, %select_n3A_575 : vector<8x800xf32>
    %select_n3A_585 = arith.select %gt3A_584, %get3A_583, %select_n3A_575 : vector<8x800xi1>, vector<8x800xf32>
    %jit3A_586 = arith.constant 5.100000e+01 : f32
    %broadcast_in_dim3A_587 = vector.broadcast %jit3A_586 : f32 to vector<8x800xf32>
    %select_n3A_588 = arith.select %gt3A_584, %broadcast_in_dim3A_587, %select_n3A_578 : vector<8x800xi1>, vector<8x800xf32>
    %get3A_589 = arith.constant 57 : index
    %get3A_590 = arith.constant 0 : index
    %get3A_591 = arith.constant 0 : index
    %get3A_592 = vector.load %arg0[%get3A_589, %get3A_590, %get3A_591] : memref<85x8x800xf32, #tpu.memory_space<vmem>>, vector<1x8x800xf32>
    %get3A_593 = vector.shape_cast %get3A_592 : vector<1x8x800xf32> to vector<8x800xf32>
    %gt3A_594 = arith.cmpf ogt, %get3A_593, %select_n3A_585 : vector<8x800xf32>
    %select_n3A_595 = arith.select %gt3A_594, %get3A_593, %select_n3A_585 : vector<8x800xi1>, vector<8x800xf32>
    %jit3A_596 = arith.constant 5.200000e+01 : f32
    %broadcast_in_dim3A_597 = vector.broadcast %jit3A_596 : f32 to vector<8x800xf32>
    %select_n3A_598 = arith.select %gt3A_594, %broadcast_in_dim3A_597, %select_n3A_588 : vector<8x800xi1>, vector<8x800xf32>
    %get3A_599 = arith.constant 58 : index
    %get3A_600 = arith.constant 0 : index
    %get3A_601 = arith.constant 0 : index
    %get3A_602 = vector.load %arg0[%get3A_599, %get3A_600, %get3A_601] : memref<85x8x800xf32, #tpu.memory_space<vmem>>, vector<1x8x800xf32>
    %get3A_603 = vector.shape_cast %get3A_602 : vector<1x8x800xf32> to vector<8x800xf32>
    %gt3A_604 = arith.cmpf ogt, %get3A_603, %select_n3A_595 : vector<8x800xf32>
    %select_n3A_605 = arith.select %gt3A_604, %get3A_603, %select_n3A_595 : vector<8x800xi1>, vector<8x800xf32>
    %jit3A_606 = arith.constant 5.300000e+01 : f32
    %broadcast_in_dim3A_607 = vector.broadcast %jit3A_606 : f32 to vector<8x800xf32>
    %select_n3A_608 = arith.select %gt3A_604, %broadcast_in_dim3A_607, %select_n3A_598 : vector<8x800xi1>, vector<8x800xf32>
    %get3A_609 = arith.constant 59 : index
    %get3A_610 = arith.constant 0 : index
    %get3A_611 = arith.constant 0 : index
    %get3A_612 = vector.load %arg0[%get3A_609, %get3A_610, %get3A_611] : memref<85x8x800xf32, #tpu.memory_space<vmem>>, vector<1x8x800xf32>
    %get3A_613 = vector.shape_cast %get3A_612 : vector<1x8x800xf32> to vector<8x800xf32>
    %gt3A_614 = arith.cmpf ogt, %get3A_613, %select_n3A_605 : vector<8x800xf32>
    %select_n3A_615 = arith.select %gt3A_614, %get3A_613, %select_n3A_605 : vector<8x800xi1>, vector<8x800xf32>
    %jit3A_616 = arith.constant 5.400000e+01 : f32
    %broadcast_in_dim3A_617 = vector.broadcast %jit3A_616 : f32 to vector<8x800xf32>
    %select_n3A_618 = arith.select %gt3A_614, %broadcast_in_dim3A_617, %select_n3A_608 : vector<8x800xi1>, vector<8x800xf32>
    %get3A_619 = arith.constant 60 : index
    %get3A_620 = arith.constant 0 : index
    %get3A_621 = arith.constant 0 : index
    %get3A_622 = vector.load %arg0[%get3A_619, %get3A_620, %get3A_621] : memref<85x8x800xf32, #tpu.memory_space<vmem>>, vector<1x8x800xf32>
    %get3A_623 = vector.shape_cast %get3A_622 : vector<1x8x800xf32> to vector<8x800xf32>
    %gt3A_624 = arith.cmpf ogt, %get3A_623, %select_n3A_615 : vector<8x800xf32>
    %select_n3A_625 = arith.select %gt3A_624, %get3A_623, %select_n3A_615 : vector<8x800xi1>, vector<8x800xf32>
    %jit3A_626 = arith.constant 5.500000e+01 : f32
    %broadcast_in_dim3A_627 = vector.broadcast %jit3A_626 : f32 to vector<8x800xf32>
    %select_n3A_628 = arith.select %gt3A_624, %broadcast_in_dim3A_627, %select_n3A_618 : vector<8x800xi1>, vector<8x800xf32>
    %get3A_629 = arith.constant 61 : index
    %get3A_630 = arith.constant 0 : index
    %get3A_631 = arith.constant 0 : index
    %get3A_632 = vector.load %arg0[%get3A_629, %get3A_630, %get3A_631] : memref<85x8x800xf32, #tpu.memory_space<vmem>>, vector<1x8x800xf32>
    %get3A_633 = vector.shape_cast %get3A_632 : vector<1x8x800xf32> to vector<8x800xf32>
    %gt3A_634 = arith.cmpf ogt, %get3A_633, %select_n3A_625 : vector<8x800xf32>
    %select_n3A_635 = arith.select %gt3A_634, %get3A_633, %select_n3A_625 : vector<8x800xi1>, vector<8x800xf32>
    %jit3A_636 = arith.constant 5.600000e+01 : f32
    %broadcast_in_dim3A_637 = vector.broadcast %jit3A_636 : f32 to vector<8x800xf32>
    %select_n3A_638 = arith.select %gt3A_634, %broadcast_in_dim3A_637, %select_n3A_628 : vector<8x800xi1>, vector<8x800xf32>
    %get3A_639 = arith.constant 62 : index
    %get3A_640 = arith.constant 0 : index
    %get3A_641 = arith.constant 0 : index
    %get3A_642 = vector.load %arg0[%get3A_639, %get3A_640, %get3A_641] : memref<85x8x800xf32, #tpu.memory_space<vmem>>, vector<1x8x800xf32>
    %get3A_643 = vector.shape_cast %get3A_642 : vector<1x8x800xf32> to vector<8x800xf32>
    %gt3A_644 = arith.cmpf ogt, %get3A_643, %select_n3A_635 : vector<8x800xf32>
    %select_n3A_645 = arith.select %gt3A_644, %get3A_643, %select_n3A_635 : vector<8x800xi1>, vector<8x800xf32>
    %jit3A_646 = arith.constant 5.700000e+01 : f32
    %broadcast_in_dim3A_647 = vector.broadcast %jit3A_646 : f32 to vector<8x800xf32>
    %select_n3A_648 = arith.select %gt3A_644, %broadcast_in_dim3A_647, %select_n3A_638 : vector<8x800xi1>, vector<8x800xf32>
    %get3A_649 = arith.constant 63 : index
    %get3A_650 = arith.constant 0 : index
    %get3A_651 = arith.constant 0 : index
    %get3A_652 = vector.load %arg0[%get3A_649, %get3A_650, %get3A_651] : memref<85x8x800xf32, #tpu.memory_space<vmem>>, vector<1x8x800xf32>
    %get3A_653 = vector.shape_cast %get3A_652 : vector<1x8x800xf32> to vector<8x800xf32>
    %gt3A_654 = arith.cmpf ogt, %get3A_653, %select_n3A_645 : vector<8x800xf32>
    %select_n3A_655 = arith.select %gt3A_654, %get3A_653, %select_n3A_645 : vector<8x800xi1>, vector<8x800xf32>
    %jit3A_656 = arith.constant 5.800000e+01 : f32
    %broadcast_in_dim3A_657 = vector.broadcast %jit3A_656 : f32 to vector<8x800xf32>
    %select_n3A_658 = arith.select %gt3A_654, %broadcast_in_dim3A_657, %select_n3A_648 : vector<8x800xi1>, vector<8x800xf32>
    %get3A_659 = arith.constant 64 : index
    %get3A_660 = arith.constant 0 : index
    %get3A_661 = arith.constant 0 : index
    %get3A_662 = vector.load %arg0[%get3A_659, %get3A_660, %get3A_661] : memref<85x8x800xf32, #tpu.memory_space<vmem>>, vector<1x8x800xf32>
    %get3A_663 = vector.shape_cast %get3A_662 : vector<1x8x800xf32> to vector<8x800xf32>
    %gt3A_664 = arith.cmpf ogt, %get3A_663, %select_n3A_655 : vector<8x800xf32>
    %select_n3A_665 = arith.select %gt3A_664, %get3A_663, %select_n3A_655 : vector<8x800xi1>, vector<8x800xf32>
    %jit3A_666 = arith.constant 5.900000e+01 : f32
    %broadcast_in_dim3A_667 = vector.broadcast %jit3A_666 : f32 to vector<8x800xf32>
    %select_n3A_668 = arith.select %gt3A_664, %broadcast_in_dim3A_667, %select_n3A_658 : vector<8x800xi1>, vector<8x800xf32>
    %get3A_669 = arith.constant 65 : index
    %get3A_670 = arith.constant 0 : index
    %get3A_671 = arith.constant 0 : index
    %get3A_672 = vector.load %arg0[%get3A_669, %get3A_670, %get3A_671] : memref<85x8x800xf32, #tpu.memory_space<vmem>>, vector<1x8x800xf32>
    %get3A_673 = vector.shape_cast %get3A_672 : vector<1x8x800xf32> to vector<8x800xf32>
    %gt3A_674 = arith.cmpf ogt, %get3A_673, %select_n3A_665 : vector<8x800xf32>
    %select_n3A_675 = arith.select %gt3A_674, %get3A_673, %select_n3A_665 : vector<8x800xi1>, vector<8x800xf32>
    %jit3A_676 = arith.constant 6.000000e+01 : f32
    %broadcast_in_dim3A_677 = vector.broadcast %jit3A_676 : f32 to vector<8x800xf32>
    %select_n3A_678 = arith.select %gt3A_674, %broadcast_in_dim3A_677, %select_n3A_668 : vector<8x800xi1>, vector<8x800xf32>
    %get3A_679 = arith.constant 66 : index
    %get3A_680 = arith.constant 0 : index
    %get3A_681 = arith.constant 0 : index
    %get3A_682 = vector.load %arg0[%get3A_679, %get3A_680, %get3A_681] : memref<85x8x800xf32, #tpu.memory_space<vmem>>, vector<1x8x800xf32>
    %get3A_683 = vector.shape_cast %get3A_682 : vector<1x8x800xf32> to vector<8x800xf32>
    %gt3A_684 = arith.cmpf ogt, %get3A_683, %select_n3A_675 : vector<8x800xf32>
    %select_n3A_685 = arith.select %gt3A_684, %get3A_683, %select_n3A_675 : vector<8x800xi1>, vector<8x800xf32>
    %jit3A_686 = arith.constant 6.100000e+01 : f32
    %broadcast_in_dim3A_687 = vector.broadcast %jit3A_686 : f32 to vector<8x800xf32>
    %select_n3A_688 = arith.select %gt3A_684, %broadcast_in_dim3A_687, %select_n3A_678 : vector<8x800xi1>, vector<8x800xf32>
    %get3A_689 = arith.constant 67 : index
    %get3A_690 = arith.constant 0 : index
    %get3A_691 = arith.constant 0 : index
    %get3A_692 = vector.load %arg0[%get3A_689, %get3A_690, %get3A_691] : memref<85x8x800xf32, #tpu.memory_space<vmem>>, vector<1x8x800xf32>
    %get3A_693 = vector.shape_cast %get3A_692 : vector<1x8x800xf32> to vector<8x800xf32>
    %gt3A_694 = arith.cmpf ogt, %get3A_693, %select_n3A_685 : vector<8x800xf32>
    %select_n3A_695 = arith.select %gt3A_694, %get3A_693, %select_n3A_685 : vector<8x800xi1>, vector<8x800xf32>
    %jit3A_696 = arith.constant 6.200000e+01 : f32
    %broadcast_in_dim3A_697 = vector.broadcast %jit3A_696 : f32 to vector<8x800xf32>
    %select_n3A_698 = arith.select %gt3A_694, %broadcast_in_dim3A_697, %select_n3A_688 : vector<8x800xi1>, vector<8x800xf32>
    %get3A_699 = arith.constant 68 : index
    %get3A_700 = arith.constant 0 : index
    %get3A_701 = arith.constant 0 : index
    %get3A_702 = vector.load %arg0[%get3A_699, %get3A_700, %get3A_701] : memref<85x8x800xf32, #tpu.memory_space<vmem>>, vector<1x8x800xf32>
    %get3A_703 = vector.shape_cast %get3A_702 : vector<1x8x800xf32> to vector<8x800xf32>
    %gt3A_704 = arith.cmpf ogt, %get3A_703, %select_n3A_695 : vector<8x800xf32>
    %select_n3A_705 = arith.select %gt3A_704, %get3A_703, %select_n3A_695 : vector<8x800xi1>, vector<8x800xf32>
    %jit3A_706 = arith.constant 6.300000e+01 : f32
    %broadcast_in_dim3A_707 = vector.broadcast %jit3A_706 : f32 to vector<8x800xf32>
    %select_n3A_708 = arith.select %gt3A_704, %broadcast_in_dim3A_707, %select_n3A_698 : vector<8x800xi1>, vector<8x800xf32>
    %get3A_709 = arith.constant 69 : index
    %get3A_710 = arith.constant 0 : index
    %get3A_711 = arith.constant 0 : index
    %get3A_712 = vector.load %arg0[%get3A_709, %get3A_710, %get3A_711] : memref<85x8x800xf32, #tpu.memory_space<vmem>>, vector<1x8x800xf32>
    %get3A_713 = vector.shape_cast %get3A_712 : vector<1x8x800xf32> to vector<8x800xf32>
    %gt3A_714 = arith.cmpf ogt, %get3A_713, %select_n3A_705 : vector<8x800xf32>
    %select_n3A_715 = arith.select %gt3A_714, %get3A_713, %select_n3A_705 : vector<8x800xi1>, vector<8x800xf32>
    %jit3A_716 = arith.constant 6.400000e+01 : f32
    %broadcast_in_dim3A_717 = vector.broadcast %jit3A_716 : f32 to vector<8x800xf32>
    %select_n3A_718 = arith.select %gt3A_714, %broadcast_in_dim3A_717, %select_n3A_708 : vector<8x800xi1>, vector<8x800xf32>
    %get3A_719 = arith.constant 70 : index
    %get3A_720 = arith.constant 0 : index
    %get3A_721 = arith.constant 0 : index
    %get3A_722 = vector.load %arg0[%get3A_719, %get3A_720, %get3A_721] : memref<85x8x800xf32, #tpu.memory_space<vmem>>, vector<1x8x800xf32>
    %get3A_723 = vector.shape_cast %get3A_722 : vector<1x8x800xf32> to vector<8x800xf32>
    %gt3A_724 = arith.cmpf ogt, %get3A_723, %select_n3A_715 : vector<8x800xf32>
    %select_n3A_725 = arith.select %gt3A_724, %get3A_723, %select_n3A_715 : vector<8x800xi1>, vector<8x800xf32>
    %jit3A_726 = arith.constant 6.500000e+01 : f32
    %broadcast_in_dim3A_727 = vector.broadcast %jit3A_726 : f32 to vector<8x800xf32>
    %select_n3A_728 = arith.select %gt3A_724, %broadcast_in_dim3A_727, %select_n3A_718 : vector<8x800xi1>, vector<8x800xf32>
    %get3A_729 = arith.constant 71 : index
    %get3A_730 = arith.constant 0 : index
    %get3A_731 = arith.constant 0 : index
    %get3A_732 = vector.load %arg0[%get3A_729, %get3A_730, %get3A_731] : memref<85x8x800xf32, #tpu.memory_space<vmem>>, vector<1x8x800xf32>
    %get3A_733 = vector.shape_cast %get3A_732 : vector<1x8x800xf32> to vector<8x800xf32>
    %gt3A_734 = arith.cmpf ogt, %get3A_733, %select_n3A_725 : vector<8x800xf32>
    %select_n3A_735 = arith.select %gt3A_734, %get3A_733, %select_n3A_725 : vector<8x800xi1>, vector<8x800xf32>
    %jit3A_736 = arith.constant 6.600000e+01 : f32
    %broadcast_in_dim3A_737 = vector.broadcast %jit3A_736 : f32 to vector<8x800xf32>
    %select_n3A_738 = arith.select %gt3A_734, %broadcast_in_dim3A_737, %select_n3A_728 : vector<8x800xi1>, vector<8x800xf32>
    %get3A_739 = arith.constant 72 : index
    %get3A_740 = arith.constant 0 : index
    %get3A_741 = arith.constant 0 : index
    %get3A_742 = vector.load %arg0[%get3A_739, %get3A_740, %get3A_741] : memref<85x8x800xf32, #tpu.memory_space<vmem>>, vector<1x8x800xf32>
    %get3A_743 = vector.shape_cast %get3A_742 : vector<1x8x800xf32> to vector<8x800xf32>
    %gt3A_744 = arith.cmpf ogt, %get3A_743, %select_n3A_735 : vector<8x800xf32>
    %select_n3A_745 = arith.select %gt3A_744, %get3A_743, %select_n3A_735 : vector<8x800xi1>, vector<8x800xf32>
    %jit3A_746 = arith.constant 6.700000e+01 : f32
    %broadcast_in_dim3A_747 = vector.broadcast %jit3A_746 : f32 to vector<8x800xf32>
    %select_n3A_748 = arith.select %gt3A_744, %broadcast_in_dim3A_747, %select_n3A_738 : vector<8x800xi1>, vector<8x800xf32>
    %get3A_749 = arith.constant 73 : index
    %get3A_750 = arith.constant 0 : index
    %get3A_751 = arith.constant 0 : index
    %get3A_752 = vector.load %arg0[%get3A_749, %get3A_750, %get3A_751] : memref<85x8x800xf32, #tpu.memory_space<vmem>>, vector<1x8x800xf32>
    %get3A_753 = vector.shape_cast %get3A_752 : vector<1x8x800xf32> to vector<8x800xf32>
    %gt3A_754 = arith.cmpf ogt, %get3A_753, %select_n3A_745 : vector<8x800xf32>
    %select_n3A_755 = arith.select %gt3A_754, %get3A_753, %select_n3A_745 : vector<8x800xi1>, vector<8x800xf32>
    %jit3A_756 = arith.constant 6.800000e+01 : f32
    %broadcast_in_dim3A_757 = vector.broadcast %jit3A_756 : f32 to vector<8x800xf32>
    %select_n3A_758 = arith.select %gt3A_754, %broadcast_in_dim3A_757, %select_n3A_748 : vector<8x800xi1>, vector<8x800xf32>
    %get3A_759 = arith.constant 74 : index
    %get3A_760 = arith.constant 0 : index
    %get3A_761 = arith.constant 0 : index
    %get3A_762 = vector.load %arg0[%get3A_759, %get3A_760, %get3A_761] : memref<85x8x800xf32, #tpu.memory_space<vmem>>, vector<1x8x800xf32>
    %get3A_763 = vector.shape_cast %get3A_762 : vector<1x8x800xf32> to vector<8x800xf32>
    %gt3A_764 = arith.cmpf ogt, %get3A_763, %select_n3A_755 : vector<8x800xf32>
    %select_n3A_765 = arith.select %gt3A_764, %get3A_763, %select_n3A_755 : vector<8x800xi1>, vector<8x800xf32>
    %jit3A_766 = arith.constant 6.900000e+01 : f32
    %broadcast_in_dim3A_767 = vector.broadcast %jit3A_766 : f32 to vector<8x800xf32>
    %select_n3A_768 = arith.select %gt3A_764, %broadcast_in_dim3A_767, %select_n3A_758 : vector<8x800xi1>, vector<8x800xf32>
    %get3A_769 = arith.constant 75 : index
    %get3A_770 = arith.constant 0 : index
    %get3A_771 = arith.constant 0 : index
    %get3A_772 = vector.load %arg0[%get3A_769, %get3A_770, %get3A_771] : memref<85x8x800xf32, #tpu.memory_space<vmem>>, vector<1x8x800xf32>
    %get3A_773 = vector.shape_cast %get3A_772 : vector<1x8x800xf32> to vector<8x800xf32>
    %gt3A_774 = arith.cmpf ogt, %get3A_773, %select_n3A_765 : vector<8x800xf32>
    %select_n3A_775 = arith.select %gt3A_774, %get3A_773, %select_n3A_765 : vector<8x800xi1>, vector<8x800xf32>
    %jit3A_776 = arith.constant 7.000000e+01 : f32
    %broadcast_in_dim3A_777 = vector.broadcast %jit3A_776 : f32 to vector<8x800xf32>
    %select_n3A_778 = arith.select %gt3A_774, %broadcast_in_dim3A_777, %select_n3A_768 : vector<8x800xi1>, vector<8x800xf32>
    %get3A_779 = arith.constant 76 : index
    %get3A_780 = arith.constant 0 : index
    %get3A_781 = arith.constant 0 : index
    %get3A_782 = vector.load %arg0[%get3A_779, %get3A_780, %get3A_781] : memref<85x8x800xf32, #tpu.memory_space<vmem>>, vector<1x8x800xf32>
    %get3A_783 = vector.shape_cast %get3A_782 : vector<1x8x800xf32> to vector<8x800xf32>
    %gt3A_784 = arith.cmpf ogt, %get3A_783, %select_n3A_775 : vector<8x800xf32>
    %select_n3A_785 = arith.select %gt3A_784, %get3A_783, %select_n3A_775 : vector<8x800xi1>, vector<8x800xf32>
    %jit3A_786 = arith.constant 7.100000e+01 : f32
    %broadcast_in_dim3A_787 = vector.broadcast %jit3A_786 : f32 to vector<8x800xf32>
    %select_n3A_788 = arith.select %gt3A_784, %broadcast_in_dim3A_787, %select_n3A_778 : vector<8x800xi1>, vector<8x800xf32>
    %get3A_789 = arith.constant 77 : index
    %get3A_790 = arith.constant 0 : index
    %get3A_791 = arith.constant 0 : index
    %get3A_792 = vector.load %arg0[%get3A_789, %get3A_790, %get3A_791] : memref<85x8x800xf32, #tpu.memory_space<vmem>>, vector<1x8x800xf32>
    %get3A_793 = vector.shape_cast %get3A_792 : vector<1x8x800xf32> to vector<8x800xf32>
    %gt3A_794 = arith.cmpf ogt, %get3A_793, %select_n3A_785 : vector<8x800xf32>
    %select_n3A_795 = arith.select %gt3A_794, %get3A_793, %select_n3A_785 : vector<8x800xi1>, vector<8x800xf32>
    %jit3A_796 = arith.constant 7.200000e+01 : f32
    %broadcast_in_dim3A_797 = vector.broadcast %jit3A_796 : f32 to vector<8x800xf32>
    %select_n3A_798 = arith.select %gt3A_794, %broadcast_in_dim3A_797, %select_n3A_788 : vector<8x800xi1>, vector<8x800xf32>
    %get3A_799 = arith.constant 78 : index
    %get3A_800 = arith.constant 0 : index
    %get3A_801 = arith.constant 0 : index
    %get3A_802 = vector.load %arg0[%get3A_799, %get3A_800, %get3A_801] : memref<85x8x800xf32, #tpu.memory_space<vmem>>, vector<1x8x800xf32>
    %get3A_803 = vector.shape_cast %get3A_802 : vector<1x8x800xf32> to vector<8x800xf32>
    %gt3A_804 = arith.cmpf ogt, %get3A_803, %select_n3A_795 : vector<8x800xf32>
    %select_n3A_805 = arith.select %gt3A_804, %get3A_803, %select_n3A_795 : vector<8x800xi1>, vector<8x800xf32>
    %jit3A_806 = arith.constant 7.300000e+01 : f32
    %broadcast_in_dim3A_807 = vector.broadcast %jit3A_806 : f32 to vector<8x800xf32>
    %select_n3A_808 = arith.select %gt3A_804, %broadcast_in_dim3A_807, %select_n3A_798 : vector<8x800xi1>, vector<8x800xf32>
    %get3A_809 = arith.constant 79 : index
    %get3A_810 = arith.constant 0 : index
    %get3A_811 = arith.constant 0 : index
    %get3A_812 = vector.load %arg0[%get3A_809, %get3A_810, %get3A_811] : memref<85x8x800xf32, #tpu.memory_space<vmem>>, vector<1x8x800xf32>
    %get3A_813 = vector.shape_cast %get3A_812 : vector<1x8x800xf32> to vector<8x800xf32>
    %gt3A_814 = arith.cmpf ogt, %get3A_813, %select_n3A_805 : vector<8x800xf32>
    %select_n3A_815 = arith.select %gt3A_814, %get3A_813, %select_n3A_805 : vector<8x800xi1>, vector<8x800xf32>
    %jit3A_816 = arith.constant 7.400000e+01 : f32
    %broadcast_in_dim3A_817 = vector.broadcast %jit3A_816 : f32 to vector<8x800xf32>
    %select_n3A_818 = arith.select %gt3A_814, %broadcast_in_dim3A_817, %select_n3A_808 : vector<8x800xi1>, vector<8x800xf32>
    %get3A_819 = arith.constant 80 : index
    %get3A_820 = arith.constant 0 : index
    %get3A_821 = arith.constant 0 : index
    %get3A_822 = vector.load %arg0[%get3A_819, %get3A_820, %get3A_821] : memref<85x8x800xf32, #tpu.memory_space<vmem>>, vector<1x8x800xf32>
    %get3A_823 = vector.shape_cast %get3A_822 : vector<1x8x800xf32> to vector<8x800xf32>
    %gt3A_824 = arith.cmpf ogt, %get3A_823, %select_n3A_815 : vector<8x800xf32>
    %select_n3A_825 = arith.select %gt3A_824, %get3A_823, %select_n3A_815 : vector<8x800xi1>, vector<8x800xf32>
    %jit3A_826 = arith.constant 7.500000e+01 : f32
    %broadcast_in_dim3A_827 = vector.broadcast %jit3A_826 : f32 to vector<8x800xf32>
    %select_n3A_828 = arith.select %gt3A_824, %broadcast_in_dim3A_827, %select_n3A_818 : vector<8x800xi1>, vector<8x800xf32>
    %get3A_829 = arith.constant 81 : index
    %get3A_830 = arith.constant 0 : index
    %get3A_831 = arith.constant 0 : index
    %get3A_832 = vector.load %arg0[%get3A_829, %get3A_830, %get3A_831] : memref<85x8x800xf32, #tpu.memory_space<vmem>>, vector<1x8x800xf32>
    %get3A_833 = vector.shape_cast %get3A_832 : vector<1x8x800xf32> to vector<8x800xf32>
    %gt3A_834 = arith.cmpf ogt, %get3A_833, %select_n3A_825 : vector<8x800xf32>
    %select_n3A_835 = arith.select %gt3A_834, %get3A_833, %select_n3A_825 : vector<8x800xi1>, vector<8x800xf32>
    %jit3A_836 = arith.constant 7.600000e+01 : f32
    %broadcast_in_dim3A_837 = vector.broadcast %jit3A_836 : f32 to vector<8x800xf32>
    %select_n3A_838 = arith.select %gt3A_834, %broadcast_in_dim3A_837, %select_n3A_828 : vector<8x800xi1>, vector<8x800xf32>
    %get3A_839 = arith.constant 82 : index
    %get3A_840 = arith.constant 0 : index
    %get3A_841 = arith.constant 0 : index
    %get3A_842 = vector.load %arg0[%get3A_839, %get3A_840, %get3A_841] : memref<85x8x800xf32, #tpu.memory_space<vmem>>, vector<1x8x800xf32>
    %get3A_843 = vector.shape_cast %get3A_842 : vector<1x8x800xf32> to vector<8x800xf32>
    %gt3A_844 = arith.cmpf ogt, %get3A_843, %select_n3A_835 : vector<8x800xf32>
    %select_n3A_845 = arith.select %gt3A_844, %get3A_843, %select_n3A_835 : vector<8x800xi1>, vector<8x800xf32>
    %jit3A_846 = arith.constant 7.700000e+01 : f32
    %broadcast_in_dim3A_847 = vector.broadcast %jit3A_846 : f32 to vector<8x800xf32>
    %select_n3A_848 = arith.select %gt3A_844, %broadcast_in_dim3A_847, %select_n3A_838 : vector<8x800xi1>, vector<8x800xf32>
    %get3A_849 = arith.constant 83 : index
    %get3A_850 = arith.constant 0 : index
    %get3A_851 = arith.constant 0 : index
    %get3A_852 = vector.load %arg0[%get3A_849, %get3A_850, %get3A_851] : memref<85x8x800xf32, #tpu.memory_space<vmem>>, vector<1x8x800xf32>
    %get3A_853 = vector.shape_cast %get3A_852 : vector<1x8x800xf32> to vector<8x800xf32>
    %gt3A_854 = arith.cmpf ogt, %get3A_853, %select_n3A_845 : vector<8x800xf32>
    %select_n3A_855 = arith.select %gt3A_854, %get3A_853, %select_n3A_845 : vector<8x800xi1>, vector<8x800xf32>
    %jit3A_856 = arith.constant 7.800000e+01 : f32
    %broadcast_in_dim3A_857 = vector.broadcast %jit3A_856 : f32 to vector<8x800xf32>
    %select_n3A_858 = arith.select %gt3A_854, %broadcast_in_dim3A_857, %select_n3A_848 : vector<8x800xi1>, vector<8x800xf32>
    %get3A_859 = arith.constant 84 : index
    %get3A_860 = arith.constant 0 : index
    %get3A_861 = arith.constant 0 : index
    %get3A_862 = vector.load %arg0[%get3A_859, %get3A_860, %get3A_861] : memref<85x8x800xf32, #tpu.memory_space<vmem>>, vector<1x8x800xf32>
    %get3A_863 = vector.shape_cast %get3A_862 : vector<1x8x800xf32> to vector<8x800xf32>
    %gt3A_864 = arith.cmpf ogt, %get3A_863, %select_n3A_855 : vector<8x800xf32>
    %select_n3A_865 = arith.select %gt3A_864, %get3A_863, %select_n3A_855 : vector<8x800xi1>, vector<8x800xf32>
    %jit3A_866 = arith.constant 7.900000e+01 : f32
    %broadcast_in_dim3A_867 = vector.broadcast %jit3A_866 : f32 to vector<8x800xf32>
    %select_n3A_868 = arith.select %gt3A_864, %broadcast_in_dim3A_867, %select_n3A_858 : vector<8x800xi1>, vector<8x800xf32>
    %jit3A_869 = arith.constant -3.000000e+38 : f32
    %broadcast_in_dim3A_870 = vector.broadcast %jit3A_869 : f32 to vector<8x800xf32>
    %select_n3A_871 = arith.select %gt3A_30, %select_n3A_865, %broadcast_in_dim3A_870 : vector<8x800xi1>, vector<8x800xf32>
    %reduce_max3A = vector.shape_cast %select_n3A_871 : vector<8x800xf32> to vector<1x8x800xf32>
    %reduce_max3A_872 = arith.constant dense<0xFF800000> : vector<1xf32>
    %reduce_max3A_873 = vector.multi_reduction <maximumf>, %reduce_max3A, %reduce_max3A_872 [1, 2] : vector<1x8x800xf32> to vector<1xf32>
    %reduce_max3A_874 = vector.shape_cast %reduce_max3A_873 : vector<1xf32> to vector<1x1x1xf32>
    %reduce_max3A_875 = vector.extract %reduce_max3A_874[0, 0, 0] : f32 from vector<1x1x1xf32>
    %jit3A_876 = arith.constant 3.000000e+38 : f32
    %broadcast_in_dim3A_877 = vector.broadcast %jit3A_876 : f32 to vector<8x800xf32>
    %select_n3A_878 = arith.select %gt3A_30, %select_n3A_865, %broadcast_in_dim3A_877 : vector<8x800xi1>, vector<8x800xf32>
    %reduce_min3A = vector.shape_cast %select_n3A_878 : vector<8x800xf32> to vector<1x8x800xf32>
    %reduce_min3A_879 = arith.constant dense<0x7F800000> : vector<1xf32>
    %reduce_min3A_880 = vector.multi_reduction <minimumf>, %reduce_min3A, %reduce_min3A_879 [1, 2] : vector<1x8x800xf32> to vector<1xf32>
    %reduce_min3A_881 = vector.shape_cast %reduce_min3A_880 : vector<1xf32> to vector<1x1x1xf32>
    %reduce_min3A_882 = vector.extract %reduce_min3A_881[0, 0, 0] : f32 from vector<1x1x1xf32>
    %gt3A_883 = arith.constant 0.000000e+00 : f32
    %gt3A_884 = vector.broadcast %gt3A_883 : f32 to vector<8x800xf32>
    %gt3A_885 = arith.cmpf ogt, %get3A_59, %gt3A_884 : vector<8x800xf32>
    %broadcast_in_dim3A_886 = vector.broadcast %reduce_max3A_875 : f32 to vector<8x800xf32>
    %broadcast_in_dim3A_887 = vector.broadcast %reduce_min3A_882 : f32 to vector<8x800xf32>
    %select_n3A_888 = arith.select %gt3A_885, %broadcast_in_dim3A_886, %broadcast_in_dim3A_887 : vector<8x800xi1>, vector<8x800xf32>
    %mul3A_889 = arith.mulf %get3A_59, %select_n3A_888 : vector<8x800xf32>
    %gt3A_890 = arith.constant 0.000000e+00 : f32
    %gt3A_891 = vector.broadcast %gt3A_890 : f32 to vector<8x800xf32>
    %gt3A_892 = arith.cmpf ogt, %mul3A_889, %gt3A_891 : vector<8x800xf32>
    %and3A = arith.andi %gt3A_892, %gt3A_30 : vector<8x800xi1>
    %jit3A_893 = arith.constant -1.000000e+10 : f32
    %broadcast_in_dim3A_894 = vector.broadcast %jit3A_893 : f32 to vector<8x800xf32>
    %select_n3A_895 = arith.select %and3A, %mul3A_889, %broadcast_in_dim3A_894 : vector<8x800xi1>, vector<8x800xf32>
    %swap3A = arith.constant 0 : index
    %swap3A_896 = arith.constant 0 : index
    %swap3A_897 = arith.constant 0 : index
    %swap3A_898 = vector.load %arg2[%swap3A, %swap3A_896, %swap3A_897] : memref<6x8x800xf32, #tpu.memory_space<vmem>>, vector<1x8x800xf32>
    %swap3A_899 = vector.shape_cast %swap3A_898 : vector<1x8x800xf32> to vector<8x800xf32>
    %swap3A_900 = vector.shape_cast %sub3A : vector<8x800xf32> to vector<1x8x800xf32>
    tpu.vector_store %arg2[%swap3A, %swap3A_896, %swap3A_897], %swap3A_900 {strides = array<i32>} : memref<6x8x800xf32, #tpu.memory_space<vmem>>, vector<1x8x800xf32>,
    %swap3A_901 = arith.constant 1 : index
    %swap3A_902 = arith.constant 0 : index
    %swap3A_903 = arith.constant 0 : index
    %swap3A_904 = vector.load %arg2[%swap3A_901, %swap3A_902, %swap3A_903] : memref<6x8x800xf32, #tpu.memory_space<vmem>>, vector<1x8x800xf32>
    %swap3A_905 = vector.shape_cast %swap3A_904 : vector<1x8x800xf32> to vector<8x800xf32>
    %swap3A_906 = vector.shape_cast %sub3A_70 : vector<8x800xf32> to vector<1x8x800xf32>
    tpu.vector_store %arg2[%swap3A_901, %swap3A_902, %swap3A_903], %swap3A_906 {strides = array<i32>} : memref<6x8x800xf32, #tpu.memory_space<vmem>>, vector<1x8x800xf32>,
    %swap3A_907 = arith.constant 2 : index
    %swap3A_908 = arith.constant 0 : index
    %swap3A_909 = arith.constant 0 : index
    %swap3A_910 = vector.load %arg2[%swap3A_907, %swap3A_908, %swap3A_909] : memref<6x8x800xf32, #tpu.memory_space<vmem>>, vector<1x8x800xf32>
    %swap3A_911 = vector.shape_cast %swap3A_910 : vector<1x8x800xf32> to vector<8x800xf32>
    %swap3A_912 = vector.shape_cast %add3A_66 : vector<8x800xf32> to vector<1x8x800xf32>
    tpu.vector_store %arg2[%swap3A_907, %swap3A_908, %swap3A_909], %swap3A_912 {strides = array<i32>} : memref<6x8x800xf32, #tpu.memory_space<vmem>>, vector<1x8x800xf32>,
    %swap3A_913 = arith.constant 3 : index
    %swap3A_914 = arith.constant 0 : index
    %swap3A_915 = arith.constant 0 : index
    %swap3A_916 = vector.load %arg2[%swap3A_913, %swap3A_914, %swap3A_915] : memref<6x8x800xf32, #tpu.memory_space<vmem>>, vector<1x8x800xf32>
    %swap3A_917 = vector.shape_cast %swap3A_916 : vector<1x8x800xf32> to vector<8x800xf32>
    %swap3A_918 = vector.shape_cast %add3A_74 : vector<8x800xf32> to vector<1x8x800xf32>
    tpu.vector_store %arg2[%swap3A_913, %swap3A_914, %swap3A_915], %swap3A_918 {strides = array<i32>} : memref<6x8x800xf32, #tpu.memory_space<vmem>>, vector<1x8x800xf32>,
    %swap3A_919 = arith.constant 4 : index
    %swap3A_920 = arith.constant 0 : index
    %swap3A_921 = arith.constant 0 : index
    %swap3A_922 = vector.load %arg2[%swap3A_919, %swap3A_920, %swap3A_921] : memref<6x8x800xf32, #tpu.memory_space<vmem>>, vector<1x8x800xf32>
    %swap3A_923 = vector.shape_cast %swap3A_922 : vector<1x8x800xf32> to vector<8x800xf32>
    %swap3A_924 = vector.shape_cast %select_n3A_868 : vector<8x800xf32> to vector<1x8x800xf32>
    tpu.vector_store %arg2[%swap3A_919, %swap3A_920, %swap3A_921], %swap3A_924 {strides = array<i32>} : memref<6x8x800xf32, #tpu.memory_space<vmem>>, vector<1x8x800xf32>,
    %swap3A_925 = arith.constant 5 : index
    %swap3A_926 = arith.constant 0 : index
    %swap3A_927 = arith.constant 0 : index
    %swap3A_928 = vector.load %arg2[%swap3A_925, %swap3A_926, %swap3A_927] : memref<6x8x800xf32, #tpu.memory_space<vmem>>, vector<1x8x800xf32>
    %swap3A_929 = vector.shape_cast %swap3A_928 : vector<1x8x800xf32> to vector<8x800xf32>
    %swap3A_930 = vector.shape_cast %select_n3A_895 : vector<8x800xf32> to vector<1x8x800xf32>
    tpu.vector_store %arg2[%swap3A_925, %swap3A_926, %swap3A_927], %swap3A_930 {strides = array<i32>} : memref<6x8x800xf32, #tpu.memory_space<vmem>>, vector<1x8x800xf32>,
    return
  }
}

</mosaic_0001>

<sc_bundles>
// kernel: kernel.4.cloned.1.call-start
scs
__scs_entry_jumppad:
0x0: {  	(pc) =	sbr.rel $0x88, $3  }
0x1: {  	(tag) =	ssettag $0x0;
	lr =	simm.s32 $0x1  }
0x2: {  	[smem:$0x3F9E] =	sst lr;
	_ =	strace $0xD0000000  }
0x3: {  	_ = 	snop  }
0x4: {  	_ = 	snop  }
0x5: {  	_ = 	snop  }
0x6: {  	_ = 	snop  }
0x7: {  	_ = 	snop  }
__scs_overlays_trampoline_lowered:
0x8: {  	[smem:$0x3FAD] =	sst s0  }
0x9: {  	[smem:$0x3FAE] =	sst s1  }
0xa: {  	[smem:$0x3FAF] =	sst s2  }
0xb: {  	[smem:$0x3FB0] =	sst s3  }
0xc: {  	[smem:$0x3FB1] =	sst s4  }
0xd: {  	[smem:$0x3FB2] =	sst s5  }
0xe: {  	[smem:$0x3FB3] =	sst s6  }
0xf: {  	[smem:$0x3FB4] =	sst s7  }
0x10: {  	[smem:$0x3FB5] =	sst s8  }
0x11: {  	[smem:$0x3FB6] =	sst s9;
	s0 =	simm.s32 @!p0 $0x0  }
0x12: {  	s1 =	sld [smem:$0x3F9C];
	s0 =	simm.s32 @p0 $0x1  }
0x13: {  	[smem:$0x3FB7] =	sst s0;
	s0 =	simm.s32 @!p1 $0x0  }
0x14: {  	s2 =	sld [smem:$0x3F9B];
	s0 =	simm.s32 @p1 $0x1  }
0x15: {  	[smem:$0x3FB8] =	sst s0;
	s0 =	simm.s32 @!p2 $0x0  }
0x16: {  	s3 =	sld [smem:$0x3FDB];
	s0 =	simm.s32 @p2 $0x1  }
0x17: {  	s4 =	simm.s32 $0x1BF5;
	[smem:$0x3FBA] =	sst s0  }
0x18: {  	s0 =	sld [smem:$0x3F9D];
	_ =	swait.ge [sflag:s4], $0x0  }
0x19: {  	s7 =	sld [smem:$0x3F9E]  }
0x1a: {  	s8 =	sadd.s32 $0xFFFFE003, lr  }
0x1b: {  	s9 =	sadd.s32 $0xFFFFFEF7, lr;
	s5 =	simm.s32 $0xFFFFFFFF;
	p2 =	slt.u32 s8, $0xFFFFF086  }
0x1c: {  	p1 =	slt.u32 s9, $0xF7A;
	s5 =	simm.s32 @!p2 $0x0  }
0x1d: {  	s5 =	simm.s32 @p1 $0x1;
	p0 =	seq.s32 s7, s2  }
0x1e: {  	s7 =	smul.u32 @!p0 $0xF7A, s2;
	p2 =	seq.s32 @!p0 s5, $0x0  }
0x1f: {  	s9 =	smul.u32 $0xF7A, s1;
	s8 =	simm.s32 @!p0 $0x1BF5;
	p2 =	por !p2, p0  }
0x20: {  	[sflag:s8] =	ssyncset.s32 @!p0 $0xFFFFF086;
	s6 =	sadd.s32 @!p0 s3, s7;
	s7 =	simm.s32 @!p0 $0x108  }
0x21: {  	s3 =	sadd.s32 s3, s9;
	s6 =	sadd.s32 @!p0 $0x88, s6;
	s7 =	simm.s32 @p2 $0x1082  }
0x22: {  	[simem:s7], [sflag:s8] =	dma.local @!p0 [hbm:s6], $0xF7A  }
0x23: {  	s9 =	sor.u32 $0xD0000000, s2;
	s6 =	simm.s32 $0x108;
	_ =	swait.ge @!p0 [sflag:s8], $0x0  }
0x24: {  	s3 =	sadd.s32 $0x88, s3;
	s6 =	simm.s32 @!p1 $0x1082;
	[sflag:s4] =	ssyncset.s32 $0xFFFFF086  }
0x25: {  	[simem:s6], [sflag:s4] =	dma.local [hbm:s3], $0xF7A  }
0x26: {  	[smem:$0x3F9E] =	sst s1;
	(tag) =	ssettag s2;
	_ =	strace s9  }
0x27: {  	s1 =	sld [smem:$0x3FAE]  }
0x28: {  	s2 =	sld [smem:$0x3FAF]  }
0x29: {  	s4 =	sld [smem:$0x3FB1]  }
0x2a: {  	p0 =	seq.s32 s5, $0x0;
	s5 =	sld [smem:$0x3FB2]  }
0x2b: {  	s6 =	sld [smem:$0x3FB3]  }
0x2c: {  	s7 =	sld [smem:$0x3FB4]  }
0x2d: {  	s3 =	simm.s32 $0x108;
	s8 =	sld [smem:$0x3FB5]  }
0x2e: {  	s3 =	simm.s32 @!p0 $0x1082;
	s9 =	sld [smem:$0x3FB6]  }
0x2f: {  	lr =	sadd.s32 s0, s3;
	s0 =	sld [smem:$0x3FAD]  }
0x30: {  	s3 =	sld [smem:$0x3FB0]  }
0x31: {  	[smem:$0x3FB9] =	sst s10  }
0x32: {  	s10 =	sld [smem:$0x3FB7];
	_ =	sdelay $0x3  }
0x33: {  	p0 =	seq.s32 s10, $0x1;
	s10 =	sld [smem:$0x3FB9];
	_ =	sdelay $0x3  }
0x34: {  	[smem:$0x3FB9] =	sst s10  }
0x35: {  	s10 =	sld [smem:$0x3FB8];
	_ =	sdelay $0x3  }
0x36: {  	p1 =	seq.s32 s10, $0x1;
	s10 =	sld [smem:$0x3FB9];
	_ =	sdelay $0x3  }
0x37: {  	[smem:$0x3FB9] =	sst s10  }
0x38: {  	s10 =	sld [smem:$0x3FBA]  }
0x39: {  	_ = 	snop;
	(pc) =	sbr.ind lr, $3  }
0x3a: {  	_ = 	snop  }
0x3b: {  	_ = 	snop  }
0x3c: {  	p2 =	seq.s32 s10, $0x1;
	s10 =	sld [smem:$0x3FB9]  }
0x3d: {  	_ =	shalt  }
0x3e: {  	_ =	shalt  }
0x3f: {  	_ =	shalt  }
0x40: {  	_ =	shalt  }
0x41: {  	_ =	shalt  }
0x42: {  	_ =	shalt  }
0x43: {  	_ =	shalt  }
0x44: {  	_ =	shalt  }
0x45: {  	_ =	shalt  }
0x46: {  	_ =	shalt  }
0x47: {  	_ =	shalt  }
0x48: {  	_ =	shalt  }
0x49: {  	_ =	shalt  }
0x4a: {  	_ =	shalt  }
0x4b: {  	_ =	shalt  }
0x4c: {  	_ =	shalt  }
0x4d: {  	_ =	shalt  }
0x4e: {  	_ =	shalt  }
0x4f: {  	_ =	shalt  }
0x50: {  	_ =	shalt  }
0x51: {  	_ =	shalt  }
0x52: {  	_ =	shalt  }
0x53: {  	_ =	shalt  }
0x54: {  	_ =	shalt  }
0x55: {  	_ =	shalt  }
0x56: {  	_ =	shalt  }
0x57: {  	_ =	shalt  }
0x58: {  	_ =	shalt  }
0x59: {  	_ =	shalt  }
0x5a: {  	_ =	shalt  }
0x5b: {  	_ =	shalt  }
0x5c: {  	_ =	shalt  }
0x5d: {  	_ =	shalt  }
0x5e: {  	_ =	shalt  }
0x5f: {  	_ =	shalt  }
0x60: {  	_ =	shalt  }
0x61: {  	_ =	shalt  }
0x62: {  	_ =	shalt  }
0x63: {  	_ =	shalt  }
0x64: {  	_ =	shalt  }
0x65: {  	_ =	shalt  }
0x66: {  	_ =	shalt  }
0x67: {  	_ =	shalt  }
0x68: {  	_ =	shalt  }
0x69: {  	_ =	shalt  }
0x6a: {  	_ =	shalt  }
0x6b: {  	_ =	shalt  }
0x6c: {  	_ =	shalt  }
0x6d: {  	_ =	shalt  }
0x6e: {  	_ =	shalt  }
0x6f: {  	_ =	shalt  }
0x70: {  	_ =	shalt  }
0x71: {  	_ =	shalt  }
0x72: {  	_ =	shalt  }
0x73: {  	_ =	shalt  }
0x74: {  	_ =	shalt  }
0x75: {  	_ =	shalt  }
0x76: {  	_ =	shalt  }
0x77: {  	_ =	shalt  }
0x78: {  	_ =	shalt  }
0x79: {  	_ =	shalt  }
0x7a: {  	_ =	shalt  }
0x7b: {  	_ =	shalt  }
0x7c: {  	_ =	shalt  }
0x7d: {  	_ =	shalt  }
0x7e: {  	_ =	shalt  }
0x7f: {  	_ =	shalt  }
0x80: {  	_ =	shalt  }
0x81: {  	_ =	shalt  }
0x82: {  	_ =	shalt  }
0x83: {  	_ =	shalt  }
0x84: {  	_ =	shalt  }
0x85: {  	_ =	shalt  }
0x86: {  	_ =	shalt  }
0x87: {  	_ =	shalt  }
.Lfunc_end0:
.L_simem_size_0:
called_computation_lowered:
.L_overlay_start_0:
0x88: {  	s2 =	sld [smem:$0x3FD9]  }
0x89: {  	s3 =	sld [smem:$0x3FFE];
	_ =	sdelay $0x1  }
0x8a: {  	s1 =	srdreg.scid  }
0x8b: {  	s0 =	sand.u32 $0x1, s1  }
0x8c: {  	s16 =	sshll.u32 s0, $0xA;
	s2 =	sadd.s32 s3, s2  }
0x8d: {  	s2 =	sadd.s32 s2, s16  }
0x8e: {  	[smem:$0x3FC5] =	sst s2  }
0x8f: {  	_ = 	snop  }
0x90: {  	(tm) =	ssettm $0x1  }
0x91: {  	s17 =	sld [smem:$0x3FFB];
	_ =	sdelay $0x3  }
0x92: {  	_ =	strace s17  }
0x93: {  	s2 =	sld [smem:$0x3FFC];
	_ =	sdelay $0x3  }
0x94: {  	_ =	strace s2  }
0x95: {  	s2 =	sld [smem:$0x3FFD];
	_ =	sdelay $0x3  }
0x96: {  	_ =	strace s2  }
0x97: {  	_ =	strace $0x8FFFFFFF  }
0x98: {  	s18 =	sld [smem:$0x3FDB];
	_ =	sdelay $0x1  }
0x99: {  	s19 =	simm.s32 $_scs_section_size  }
0x9a: {  	s4 =	simm.s32 $_size__tile_overlayer_lowered;
	s5 =	simm.s32 $_tile_overlayer_lowered  }
0x9b: {  	s22 =	simm.s32 $0x1BFF;
	s21 =	sshll.u32 s5, $0x1;
	s2 =	sadd.s32 s19, s18  }
0x9c: {  	s6 =	simm.s32 $0x0;
	s20 =	sshll.u32 s4, $0x1;
	s4 =	sadd.s32 s21, s2  }
0x9d: {  	[timem:s6], [sflag:s22] =	dma.local [hbm:s4], s20  }
0x9e: {  	_ =	swait.ge [sflag:s22], s20  }
0x9f: {  	s3 =	ssub.s32 $0x0, s20;
	[sflag:s22] =	ssyncset.done $0x0  }
0xa0: {  	[sflag:s22] =	ssyncadd.s32 s3;
	_ =	sdelay $0x1  }
0xa1: {  	s23 =	simm.s32 $0x1B8B  }
0xa2: {  	_ =	swait.ge [sflag:s23], $0x1  }
0xa3: {  	[sflag:s23] =	ssyncset.done $0x0  }
0xa4: {  	s25 =	simm.s32 $0x1B8E;
	s24 =	sld [smem:$0x3FFE];
	[sflag:s23] =	ssyncadd.s32 $0xFFFFFFFF  }
0xa5: {  	s26 =	simm.s32 $execute0_lowered;
	[smem:$0x3FD2] =	sst s25  }
0xa6: {  	s4 =	sshll.u32 s26, $0x1;
	_ =	strace $0x80000046;
	[dreg:$0x1] =	wrdreg $0xFFFFFFFF  }
0xa7: {  	s28 =	simm.s32 $_size_execute0_lowered;
	s2 =	sadd.s32 s2, s4;
	[dreg:$0x0] =	wrdreg $0x0  }
0xa8: {  	s4 =	sshll.u32 s28, $0x1;
	[dreg:$0x2] =	wrdreg s2  }
0xa9: {  	[dreg:$0x3] =	wrdreg s4  }
0xaa: {  	[dreg:$0x4] =	wrdreg $0xC0  }
0xab: {  	_ =	task [dreg:s6], $0x5FFFF  }
0xac: {  	[dreg:$0x1] =	wrdreg $0xFFFFFFFF  }
0xad: {  	[dreg:$0x0] =	wrdreg $0x60  }
0xae: {  	[dreg:$0x2] =	wrdreg s24  }
0xaf: {  	[dreg:$0x3] =	wrdreg $0x9  }
0xb0: {  	_ =	task.clear_ibuf [dreg:s6], $0x4FFFF;
	_ =	strace $0x90000046  }
0xb1: {  	s29 =	simm.s32 $0x9;
	_ =	strace $0x80000048  }
0xb2: {  	_ =	swait.ge [sflag:s29], $0x1  }
0xb3: {  	[sflag:s29] =	ssyncadd.s32 $0xFFFFFFFF  }
0xb4: {  	_ =	strace $0x90000048  }
0xb5: {  	_ =	sfence  }
0xb6: {  	s30 =	sld [smem:$0x0];
	_ =	sdelay $0x2  }
0xb7: {  	s31 =	sshll.u32 s1, $0xD;
	s1 =	sshrl.u32 s1, $0x2  }
0xb8: {  	s3 =	sand.u32 $0x4000, s31;
	s1 =	sadd.s32 s1, s30  }
0xb9: {  	s0 =	sor.u32 s3, s0;
	s1 =	sshll.u32 s1, $0x11  }
0xba: {  	s0 =	sor.u32 s1, s0  }
0xbb: {  	s0 =	sadd.s32 $0x8F2B, s0  }
0xbc: {  	[sflag:s0] =	ssyncadd.remote.s32 $0x1  }
0xbd: {  	_ =	sfence.sel $0xFFFF  }
0xbe: {  	[dreg:$0x0] =	wrdreg $0xFFFFFFFF;
	(pc) =	sbr.abs _section_cstart, $3  }
0xbf: {  	[dreg:$0x1] =	wrdreg $0xFFFFFFFF  }
0xc0: {  	_ =	task.clear_ibuf [dreg:s6], $0x2FFFF;
	_ =	strace $0x9FFFFFFF  }
0xc1: {  	(tm) =	ssettm $0x7FFFFFFF  }
tec
execute0_lowered:
.L_overlay_start_1:
0x0: {  	(tag) =	ssettag $0x1  }
0x1: {  	s0 =	srdreg.scid  }
0x2: {  	s1 =	stileid.u32;
	s0 =	sand.u32 $0x1, s0  }
0x3: {  	s1 =	sor.u32 s1, s0  }
0x4: {  	p0 =	sne.s32 s1, $0x0  }
.Ltmp0:
0x5: {  	_ = 	snop;
	(pc) =	sbr.rel @!p0 .LBB2_1-.Ltmp0, $4  }
0x6: {  	_ = 	snop  }
0x7: {  	s3 =	simm.s32 $0x0  }
0x8: {  	[smem:$0x7FF] =	sst s3  }
0x9: {  	s2 =	rddreg [dreg:$0x0];
	_ =	strace $0x80000047  }
.LBB2_16:
0xa: {  	_ =	sfence.sel $0x180000  }
0xb: {  	[bflag:$0x0] =	sbarrier.arrive $0xFFFF  }
0xc: {  	_ =	strace $0x90000047  }
0xd: {  	s0 =	stileid.u32;
	[bflag:$0x2] =	sbarrier.arrive $0xFFFF  }
0xe: {  	p0 =	sne.s32 s0, $0x0;
	s0 =	rddreg [dreg:$0x1]  }
0xf: {  	s0 =	sadd.s32 @!p0 $0x100000, s0  }
0x10: {  	[sflag:s0] =	ssyncadd.tile.s32 @!p0 $0x1;
	_ =	shalt  }
.LBB2_1:
0x11: {  	v0 =	vimm.s32 $0xEFCDAB89;
	v1 =	vimm.s32 $0x67452301;
	v2 =	vimm.s32 $0xDCFE98BA  }
0x12: {  	v4 =	vimm.s32 $0xBA98FEDC;
	v5 =	vimm.s32 $0x32107654;
	v6 =	vimm.s32 $0xFEDCBA98  }
0x13: {  	v7 =	vimm.s32 $0x76543210;
	v0 =	vunpack.c.l.s4.s8 v0;
	v1 =	vunpack.c.l.s4.s8 v1  }
0x14: {  	vm0 =	vcmask $0x3F18;
	vm1 =	vcmask $0x3F14;
	vm2 =	vcmask $0x3F10  }
0x15: {  	v2 =	vunpack.c.l.s4.s8 v2;
	v3 =	vunpack.c.0.s8.s32 v0;
	v1 =	vunpack.c.0.s8.s32 v1  }
0x16: {  	v4 =	vunpack.c.l.s4.s8 v4;
	v5 =	vunpack.c.l.s4.s8 v5;
	v6 =	vunpack.c.l.s4.s8 v6  }
0x17: {  	v3 =	vcombine.low v1, v3;
	v1 =	vunpack.c.0.s8.s32 v2;
	v2 =	vimm.s32 $0x54761032  }
0x18: {  	s0 =	ssub.s32 $0x2, s0;
	vm3 =	vcmask $0x3F0C;
	v7 =	vunpack.c.l.s4.s8 v7;
	v2 =	vunpack.c.l.s4.s8 v2  }
0x19: {  	s4 =	sadd.s32 $0x1400, s2;
	s6 =	sadd.s32 $0x320, s2;
	s7 =	sadd.s32 $0x640, s2;
	v4 =	vunpack.c.0.s8.s32 v4;
	v5 =	vunpack.c.0.s8.s32 v5;
	v6 =	vunpack.c.0.s8.s32 v6  }
.Ltmp1:
0x1a: {  	s8 =	sadd.s32 $0x960, s2;
	s9 =	sadd.s32 $0xC80, s2;
	vm4 =	vcmask $0x3F08;
	v7 =	vunpack.c.0.s8.s32 v7;
	v2 =	vunpack.c.0.s8.s32 v2;
	(pc) =	sbr.rel .LBB2_2-.Ltmp1, $4  }
0x1b: {  	s10 =	sadd.s32 $0xFA0, s2;
	s11 =	simm.s32 $0x1;
	s12 =	simm.s32 $0x7F80;
	vm5 =	vmmov $0x1;
	v5 =	vcombine.low v5, v4;
	v6 =	vand.u32 $0xF, v6  }
0x1c: {  	s13 =	simm.s32 $0x1980;
	s14 =	simm.s32 $0x3300;
	s15 =	simm.s32 $0x4C80;
	v0 =	vimm.s32 $0x0;
	v6 =	vcombine.low v6, v7;
	v8 =	vcombine.low v2, v1  }
0x1d: {  	s16 =	simm.s32 $0x6600;
	s17 =	simm.s32 $0x9900;
	s1 =	sshrl.u32 s0, $0x1;
	v7 =	vimm.f32 $0.0e+00;
	v3 =	vand.u32 $0xF, v3;
	v1 =	vlaneseq.u32  }
0x1e: {  	s18 =	simm.s32 $0xB900;
	s20 =	simm.s32 $0x0;
	s5 =	ssub.s32 s0, s1;
	v5 =	vand.u32 $0xF, v5;
	v2 =	vadd.s32 $0x1, v1;
	v4 =	vand.u32 $0xF, v8  }
.LBB2_15:
0x1f: {  	s20 =	sadd.s32 $0x1, s20  }
0x20: {  	v8 =	vnsel vm5, $0x0, v8;
	p0 =	sne.s32 s20, s5  }
.Ltmp2:
0x21: {  	s0 =	simm.s32 $0xB280;
	[tilespmem:$0xB8C0] =	vst v8;
	(pc) =	sbr.rel @!p0 .LBB2_16-.Ltmp2, $4  }
0x22: {  	[hbm4b:s4+s3] =	stream.linear.scatter [tilespmem:s0], [sflag:$0x1], $0x680, $0x38;
	[tilespmem:$0xB980] =	vst v63  }
0x23: {  	_ =	swait.ge [sflag:s11], $0x680  }
0x24: {  	[sflag:s11] =	ssyncset.done $0x0  }
0x25: {  	[sflag:s11] =	ssyncadd.s32 $0xFFFFF980  }
.LBB2_2:
0x26: {  	s21 =	simm.s32 $0x0  }
0x27: {  	[tilespmem:s21], [sflag:$0x1] =	stream.linear.gather [hbm4b:s2+s21], $0x1900, $0x38;
	[tilespmem:$0xB980] =	vst v63  }
0x28: {  	_ =	swait.ge [sflag:s11], $0x1900  }
0x29: {  	[sflag:s11] =	ssyncset.done $0x0  }
0x2a: {  	[sflag:s11] =	ssyncadd.s32 $0xFFFFE700  }
0x2b: {  	[tilespmem:s13], [sflag:$0x1] =	stream.linear.gather [hbm4b:s6+s21], $0x1900, $0x38;
	[tilespmem:$0xB980] =	vst v63  }
0x2c: {  	_ =	swait.ge [sflag:s11], $0x1900  }
0x2d: {  	[sflag:s11] =	ssyncset.done $0x0  }
0x2e: {  	[sflag:s11] =	ssyncadd.s32 $0xFFFFE700  }
0x2f: {  	[tilespmem:s14], [sflag:$0x1] =	stream.linear.gather [hbm4b:s7+s21], $0x1900, $0x38;
	[tilespmem:$0xB980] =	vst v63  }
0x30: {  	_ =	swait.ge [sflag:s11], $0x1900  }
0x31: {  	[sflag:s11] =	ssyncset.done $0x0  }
0x32: {  	[sflag:s11] =	ssyncadd.s32 $0xFFFFE700  }
0x33: {  	[tilespmem:s15], [sflag:$0x1] =	stream.linear.gather [hbm4b:s8+s21], $0x1900, $0x38;
	[tilespmem:$0xB980] =	vst v63  }
0x34: {  	_ =	swait.ge [sflag:s11], $0x1900  }
0x35: {  	[sflag:s11] =	ssyncset.done $0x0  }
0x36: {  	[sflag:s11] =	ssyncadd.s32 $0xFFFFE700  }
0x37: {  	[tilespmem:s16], [sflag:$0x1] =	stream.linear.gather [hbm4b:s9+s21], $0x1900, $0x38;
	[tilespmem:$0xB980] =	vst v63  }
0x38: {  	_ =	swait.ge [sflag:s11], $0x1900  }
0x39: {  	[sflag:s11] =	ssyncset.done $0x0  }
0x3a: {  	[sflag:s11] =	ssyncadd.s32 $0xFFFFE700  }
0x3b: {  	[tilespmem:s12], [sflag:$0x1] =	stream.linear.gather [hbm4b:s10+s21], $0x1900, $0x38;
	[tilespmem:$0xB980] =	vst v63  }
0x3c: {  	_ =	swait.ge [sflag:s11], $0x1900  }
0x3d: {  	[sflag:s11] =	ssyncset.done $0x0  }
0x3e: {  	[sflag:s11] =	ssyncadd.s32 $0xFFFFE700  }
0x3f: {  	v8 =	vld [tilespmem:s12+$0x0];
	_ =	sdelay $0x4  }
0x40: {  	vm6 =	vgt.f32 v8, $-5.000000000e+09  }
0x41: {  	v9 =	vsel vm6, $0x1, v0  }
0x42: {  	(xrf0) =	vadd.scan.msk.s32 $0xffff, v9;
	_ =	sdelay $0x5  }
0x43: {  	s0 =	simm.s32 $0xFFFFFFFF;
	v9, _, _ =	vpop (xrf0)  }
0x44: {  	v10 =	vadd.s32 s0, v9;
	_ =	sdelay $0x4  }
0x45: {  	[tilespmem:v10+s12+$0x0] =	vst.idx.msk vm6, v8  }
0x46: {  	v8 =	vld [tilespmem:s21+$0x0];
	_ =	sdelay $0x4  }
0x47: {  	[tilespmem:v10+s3+$0x0] =	vst.idx.msk vm6, v8  }
0x48: {  	v8 =	vld [tilespmem:s13+$0x0];
	_ =	sdelay $0x4  }
0x49: {  	[tilespmem:v10+s13+$0x0] =	vst.idx.msk vm6, v8  }
0x4a: {  	v8 =	vld [tilespmem:s14+$0x0];
	_ =	sdelay $0x3  }
0x4b: {  	(v2sf) =	vpush v9, $0xF  }
0x4c: {  	[tilespmem:v10+s14+$0x0] =	vst.idx.msk vm6, v8  }
0x4d: {  	v8 =	vld [tilespmem:s15+$0x0];
	_ =	sdelay $0x4  }
0x4e: {  	[tilespmem:v10+s15+$0x0] =	vst.idx.msk vm6, v8  }
0x4f: {  	v8 =	vld [tilespmem:s16+$0x0];
	_ =	sdelay $0x4  }
0x50: {  	[tilespmem:v10+s16+$0x0] =	vst.idx.msk vm6, v8;
	v8 =	vor.u32 s21, v1  }
0x51: {  	s22 =	simm.s32 $0x10;
	s1 =	simm.s32 $0x20;
	s0 =	simm.s32 $0x7F90;
	[tilespmem:v10+s17+$0x0] =	vst.idx.msk vm6, v8  }
0x52: {  	s28 =	simm.s32 $0x1980;
	s26 =	simm.s32 $0x3300;
	s31 =	spop (v2sf);
	v8 =	vld [tilespmem:s0+$0x0]  }
0x53: {  	s25 =	simm.s32 $0x4C80;
	s24 =	simm.s32 $0x6600;
	s23 =	sadd.s32 $0x0, s31  }
.LBB2_3:
0x54: {  	p0 =	sne.s32 s1, $0x18F0;
	_ =	sdelay $0x2  }
0x55: {  	vm6 =	vgt.f32 v8, $-5.000000000e+09  }
0x56: {  	v9 =	vsel vm6, $0x1, v0  }
0x57: {  	(xrf0) =	vadd.scan.msk.s32 $0xffff, v9;
	_ =	sdelay $0x5  }
0x58: {  	s19 =	sadd.s32 $0xFFFFFFFF, s23;
	v9, _, _ =	vpop (xrf0)  }
0x59: {  	v10 =	vadd.s32 s19, v9;
	(v2sf) =	vpush v9, $0xF;
	_ =	sdelay $0x4  }
0x5a: {  	s21 =	sadd.s32 $0x10, s21;
	[tilespmem:v10+s12+$0x0] =	vst.idx.msk vm6, v8  }
0x5b: {  	v8 =	vld [tilespmem:s21+$0x0];
	_ =	sdelay $0x4  }
0x5c: {  	s28 =	sadd.s32 $0x10, s28;
	[tilespmem:v10+s3+$0x0] =	vst.idx.msk vm6, v8  }
0x5d: {  	v8 =	vld [tilespmem:s28+$0x0];
	_ =	sdelay $0x2  }
0x5e: {  	s19 =	spop (v2sf)  }
0x5f: {  	s23 =	sadd.s32 s23, s19  }
0x60: {  	s26 =	sadd.s32 $0x10, s26;
	[tilespmem:v10+s13+$0x0] =	vst.idx.msk vm6, v8  }
0x61: {  	v8 =	vld [tilespmem:s26+$0x0];
	_ =	sdelay $0x4  }
0x62: {  	s25 =	sadd.s32 $0x10, s25;
	[tilespmem:v10+s14+$0x0] =	vst.idx.msk vm6, v8  }
0x63: {  	v8 =	vld [tilespmem:s25+$0x0];
	_ =	sdelay $0x4  }
0x64: {  	s24 =	sadd.s32 $0x10, s24;
	[tilespmem:v10+s15+$0x0] =	vst.idx.msk vm6, v8  }
0x65: {  	v8 =	vld [tilespmem:s24+$0x0];
	_ =	sdelay $0x3  }
.Ltmp3:
0x66: {  	(pc) =	sbr.rel @p0 .LBB2_3-.Ltmp3, $4  }
0x67: {  	[tilespmem:v10+s16+$0x0] =	vst.idx.msk vm6, v8;
	v8 =	vor.u32 s22, v1;
	s22 =	smov.u32 s1  }
0x68: {  	s0 =	sadd.s32 $0x10, s0;
	[tilespmem:v10+s17+$0x0] =	vst.idx.msk vm6, v8  }
0x69: {  	v8 =	vld [tilespmem:s0+$0x0]  }
0x6a: {  	s1 =	sadd.s32 $0x10, s1  }
0x6b: {  	_ =	sdelay $0x2  }
0x6c: {  	vm6 =	vgt.f32 v8, $-5.000000000e+09  }
0x6d: {  	v9 =	vsel vm6, $0x1, v0  }
0x6e: {  	(xrf0) =	vadd.scan.msk.s32 $0xffff, v9;
	_ =	sdelay $0x5  }
0x6f: {  	s0 =	sadd.s32 $0xFFFFFFFF, s23;
	v9, _, _ =	vpop (xrf0)  }
0x70: {  	v10 =	vadd.s32 s0, v9;
	_ =	sdelay $0x4  }
0x71: {  	s30 =	sadd.s32 $0x10, s21;
	[tilespmem:v10+s12+$0x0] =	vst.idx.msk vm6, v8  }
0x72: {  	v8 =	vld [tilespmem:s30+$0x0];
	_ =	sdelay $0x4  }
0x73: {  	s31 =	sadd.s32 $0x10, s28;
	[tilespmem:v10+s3+$0x0] =	vst.idx.msk vm6, v8  }
0x74: {  	v8 =	vld [tilespmem:s31+$0x0]  }
0x75: {  	(v2sf) =	vpush v9, $0xF;
	_ =	sdelay $0x3  }
0x76: {  	s1 =	sadd.s32 $0x10, s26;
	[tilespmem:v10+s13+$0x0] =	vst.idx.msk vm6, v8  }
0x77: {  	v8 =	vld [tilespmem:s1+$0x0];
	_ =	sdelay $0x4  }
0x78: {  	s19 =	sadd.s32 $0x10, s25;
	[tilespmem:v10+s14+$0x0] =	vst.idx.msk vm6, v8  }
0x79: {  	v8 =	vld [tilespmem:s19+$0x0];
	_ =	sdelay $0x3  }
0x7a: {  	s21 =	spop (v2sf)  }
0x7b: {  	s0 =	sadd.s32 s23, s21;
	s1 =	sadd.s32 $0x10, s24;
	[tilespmem:v10+s15+$0x0] =	vst.idx.msk vm6, v8  }
0x7c: {  	s25 =	sand.u32 $0xF, s0;
	v8 =	vld [tilespmem:s1+$0x0]  }
0x7d: {  	p0 =	slt.s32 s0, $0x1;
	p1 =	sne.s32 s25, $0x0;
	s19 =	sshra.s32 s0, $0x1F  }
0x7e: {  	p0 =	por !p0, !p1;
	s26 =	sshrl.u32 s19, $0x1C  }
0x7f: {  	p0 =	por !p0, !p0;
	s19 =	simm.s32 $0x1;
	s1 =	sadd.s32 s26, s0  }
0x80: {  	s19 =	simm.s32 @!p0 $0x0;
	s1 =	sshrl.u32 s1, $0x4  }
0x81: {  	s1 =	ssub.s32 s1, s19;
	[tilespmem:v10+s16+$0x0] =	vst.idx.msk vm6, v8;
	v8 =	vor.u32 s22, v1  }
0x82: {  	s1 =	sshll.u32 s1, $0x4;
	[tilespmem:v10+s17+$0x0] =	vst.idx.msk vm6, v8  }
0x83: {  	s28 =	sadd.s32 $0xF, s0;
	v8 =	vld [tilespmem:s1+$0x7F80]  }
0x84: {  	s29 =	sand.u32 $0xF, s28;
	s30 =	sshra.s32 s28, $0x1F;
	v9 =	vld [tilespmem:s1+$0x9900]  }
0x85: {  	p5 =	slt.s32 s28, $0x1;
	p6 =	sne.s32 s29, $0x0;
	s0 =	ssub.s32 s0, s1  }
.Ltmp4:
0x86: {  	s31 =	sshrl.u32 s30, $0x1C;
	p0 =	por !p5, !p6;
	v10 =	vmov s0;
	(pc) =	sbr.rel .LBB2_5-.Ltmp4, $4  }
0x87: {  	p0 =	por !p0, !p0;
	s19 =	simm.s32 $0x1;
	s0 =	sadd.s32 s31, s28;
	vm6 =	vlt.s32 v10, v2  }
0x88: {  	v15 =	vimm.f32 $0.0e+00;
	v11 =	vimm.f32 $0.0e+00;
	s19 =	simm.s32 @!p0 $0x0;
	s0 =	sshra.s32 s0, $0x4;
	v8 =	vsel vm6, $0xD01502F9, v8  }
0x89: {  	v12 =	vimm.f32 $0.0e+00;
	v13 =	vimm.f32 $0.0e+00;
	s21 =	ssub.s32 s0, s19;
	v9 =	vsel vm6, $0x0, v9;
	[tilespmem:s1+$0x7F80] =	vst v8  }
0x8a: {  	v14 =	vimm.f32 $0.0e+00;
	s23 =	simm.s32 $0x0;
	s22 =	simm.s32 $0x0;
	v10 =	vimm.s32 $0xFFFFFFFF;
	p0 =	slt.s32 s21, $0x1;
	v8 =	vimm.f32 $0.0e+00;
	[tilespmem:s1+$0x9900] =	vst v9  }
.LBB2_6:
0x8b: {  	v10 =	vimm.s32 $0x0  }
.LBB2_14:
0x8c: {  	_ =	sdelay $0x2  }
0x8d: {  	[tilespmem:$0xB900] =	vst v9  }
0x8e: {  	v11 =	vld.idx.msk [tilespmem:v3+s18+$0x0], $0xffff;
	_ =	sdelay $0x4  }
0x8f: {  	v11 =	vmax.f32 v9, v11  }
0x90: {  	[tilespmem:$0xB900] =	vst v11  }
0x91: {  	v12 =	vld.idx.msk [tilespmem:v4+s18+$0x0], $0xffff;
	_ =	sdelay $0x4  }
0x92: {  	v11 =	vmax.f32 v11, v12  }
0x93: {  	[tilespmem:$0xB900] =	vst v11  }
0x94: {  	v12 =	vld.idx.msk [tilespmem:v5+s18+$0x0], $0xffff;
	_ =	sdelay $0x4  }
0x95: {  	v11 =	vmax.f32 v11, v12  }
0x96: {  	[tilespmem:$0xB900] =	vst v11  }
0x97: {  	v12 =	vld.idx.msk [tilespmem:v6+s18+$0x0], $0xffff;
	_ =	sdelay $0x4  }
0x98: {  	v15 =	vmax.f32 v11, v12  }
0x99: {  	vm6 =	veq.f32 v9, v15  }
0x9a: {  	v9 =	vnsel vm6, $0x7FFFFFFF, v17  }
0x9b: {  	[tilespmem:$0xB900] =	vst v9  }
0x9c: {  	v11 =	vld.idx.msk [tilespmem:v3+s18+$0x0], $0xffff;
	_ =	sdelay $0x1  }
0x9d: {  	v10 =	vnsel vm6, $0x0, v10  }
0x9e: {  	[tilespmem:$0xB900] =	vst v10  }
0x9f: {  	v12 =	vld.idx.msk [tilespmem:v3+s18+$0x0], $0xffff  }
0xa0: {  	vm6 =	vlt.s32 v11, v9  }
0xa1: {  	v13 =	vsel vm6, v11, v9  }
0xa2: {  	[tilespmem:$0xB900] =	vst v13  }
0xa3: {  	vm6 =	vgt.s32 v9, v11;
	v14 =	vld.idx.msk [tilespmem:v4+s18+$0x0], $0xffff  }
0xa4: {  	v9 =	vsel vm6, v12, v10  }
0xa5: {  	[tilespmem:$0xB900] =	vst v9  }
0xa6: {  	v10 =	vld.idx.msk [tilespmem:v4+s18+$0x0], $0xffff;
	_ =	sdelay $0x1  }
0xa7: {  	vm6 =	vlt.s32 v14, v13  }
0xa8: {  	v11 =	vsel vm6, v14, v13  }
0xa9: {  	vm6 =	vgt.s32 v13, v14;
	[tilespmem:$0xB900] =	vst v11  }
0xaa: {  	v9 =	vsel vm6, v10, v9;
	v12 =	vld.idx.msk [tilespmem:v5+s18+$0x0], $0xffff  }
0xab: {  	[tilespmem:$0xB900] =	vst v9  }
0xac: {  	v10 =	vld.idx.msk [tilespmem:v5+s18+$0x0], $0xffff;
	_ =	sdelay $0x2  }
0xad: {  	vm6 =	vlt.s32 v12, v11  }
0xae: {  	v16 =	vsel vm6, v12, v11;
	vm6 =	vgt.s32 v11, v12  }
0xaf: {  	[tilespmem:$0xB900] =	vst v16;
	v9 =	vsel vm6, v10, v9  }
0xb0: {  	v10 =	vld.idx.msk [tilespmem:v6+s18+$0x0], $0xffff;
	[tilespmem:$0xB900] =	vst v9  }
0xb1: {  	v11 =	vld.idx.msk [tilespmem:v6+s18+$0x0], $0xffff;
	_ =	sdelay $0x3  }
0xb2: {  	vm6 =	vgt.s32 v16, v10  }
0xb3: {  	v9 =	vsel vm6, v11, v9;
	_ =	sdelay $0x4  }
0xb4: {  	v17 =	vld.idx.msk [tilespmem:v9+s16+$0x0], $0xffff  }
0xb5: {  	v11 =	vld.idx.msk [tilespmem:v9+s15+$0x0], $0xffff  }
0xb6: {  	v12 =	vld.idx.msk [tilespmem:v9+s14+$0x0], $0xffff  }
0xb7: {  	v13 =	vld.idx.msk [tilespmem:v9+s13+$0x0], $0xffff  }
0xb8: {  	vm6 =	vgt.f32 v15, $-5.000000000e+09;
	v14 =	vld.idx.msk [tilespmem:v9+s3+$0x0], $0xffff  }
0xb9: {  	v9 =	vnsel vm6, $0x0, v17  }
0xba: {  	s0 =	sshll.u32 s23, $0x4;
	s23 =	sadd.s32 $0x1, s23;
	v15 =	vnsel vm6, $0x0, v15;
	v9 =	vsel vm0, $0x0, v9  }
0xbb: {  	p1 =	sne.s32 s23, $0x64;
	vm7 =	vlt.s32 v10, v16;
	v17 =	vnsel vm6, $0x0, v11;
	v9 =	vsel vm1, v9, v15  }
.Ltmp5:
0xbc: {  	v18 =	vnsel vm6, $0x0, v12;
	v19 =	vnsel vm6, $0x0, v13;
	v9 =	vsel vm2, v9, v17;
	(pc) =	sbr.rel @!p1 .LBB2_15-.Ltmp5, $4  }
0xbd: {  	v15 =	vsub.f32 v12, v14;
	v17 =	vsub.f32 v11, v13;
	v9 =	vsel vm3, v9, v18  }
0xbe: {  	v63 =	vsel vm6, $0x3F800000, v7;
	v62 =	vnsel vm6, $0x0, v14;
	v9 =	vsel vm4, v9, v19  }
0xbf: {  	s0 =	sand.u32 $0x3FFFFFF0, s0;
	v15 =	vmax.f32 v15, $0.0e+00;
	v17 =	vmax.f32 v17, $0.0e+00;
	v9 =	vsel vm5, v62, v9  }
0xc0: {  	v10 =	vsel vm7, v10, v16;
	v8 =	vadd.f32 v63, v8;
	v15 =	vmul.f32 v17, v15;
	[tilespmem:s0+$0xB280] =	vst v9  }
.LBB2_5:
.Ltmp6:
0xc1: {  	(pc) =	sbr.rel @p0 .LBB2_6-.Ltmp6, $2  }
0xc2: {  	_ =	sdelay $0x2  }
0xc3: {  	v9 =	vimm.f32 $-3.000000010e+38;
	v17 =	vimm.s32 $0x0  }
0xc4: {  	p2 =	sne.s32 s21, $0x1  }
.Ltmp7:
0xc5: {  	_ = 	snop;
	(pc) =	sbr.rel @!p2 .LBB2_8-.Ltmp7, $4  }
0xc6: {  	_ = 	snop  }
0xc7: {  	s0 =	simm.s32 $0x3300;
	v19 =	vld [tilespmem:s22+$0x0]  }
0xc8: {  	s24 =	simm.s32 $0x7F80;
	s1 =	simm.s32 $0x1980;
	s30 =	simm.s32 $0x4C80;
	v20 =	vld [tilespmem:s0+$0x0]  }
0xc9: {  	s25 =	simm.s32 $0x9900;
	s19 =	sadd.s32 $0xFFFFFFFF, s21;
	p1 =	por $0x0, $0x0;
	v21 =	vld [tilespmem:s1+$0x0]  }
0xca: {  	v16 =	vld [tilespmem:s30+$0x0];
	_ =	sdelay $0x3  }
0xcb: {  	v18 =	vmax.f32 v14, v19  }
0xcc: {  	v19 =	vsub.f32 v20, v19;
	v20 =	vmin.f32 v12, v20;
	v22 =	vsub.f32 v16, v21  }
0xcd: {  	v18 =	vsub.f32 v20, v18;
	v21 =	vmax.f32 v13, v21;
	v16 =	vmin.f32 v11, v16  }
0xce: {  	v19 =	vmax.f32 v19, $0.0e+00;
	v16 =	vsub.f32 v16, v21;
	v20 =	vmax.f32 v22, $0.0e+00  }
0xcf: {  	v19 =	vmul.f32 v20, v19  }
0xd0: {  	v18 =	vmax.f32 v18, $0.0e+00;
	v16 =	vmax.f32 v16, $0.0e+00  }
0xd1: {  	v16 =	vmul.f32 v16, v18;
	v18 =	vadd.f32 v19, v15;
	_ =	sdelay $0x1  }
0xd2: {  	v18 =	vsub.f32 v18, v16;
	_ =	sdelay $0x1  }
0xd3: {  	vm6 =	vgt.f32 v18, $0.0e+00  }
0xd4: {  	v18 =	vnsel vm6, $0x3F800000, v18  }
0xd5: {  	(erf) = vrcp.f32 v18;
	_ =	sdelay $0x7  }
0xd6: {  	v18 =	vld [tilespmem:s25+$0x0]  }
0xd7: {  	v19 =	vpop (erf)  }
0xd8: {  	v20 =	vld [tilespmem:s24+$0x0];
	v16 =	vmul.f32 v19, v16;
	_ =	sdelay $0x1  }
0xd9: {  	vm7 =	vgt.f32 v16, $5.000000000e-01  }
0xda: {  	vm6 =	vmand vm6, vm7;
	vm7 =	veq.s32 v18, v10  }
0xdb: {  	p2 =	sne.s32 s19, $0x1;
	vm6 =	vmor vm7, vm6  }
.Ltmp8:
0xdc: {  	v16 =	vsel vm6, $0xD01502F9, v20;
	(pc) =	sbr.rel @!p2 .LBB2_10-.Ltmp8, $4  }
0xdd: {  	s31 =	simm.s32 $0x10;
	[tilespmem:s24+$0x0] =	vst v16  }
0xde: {  	s0 =	simm.s32 $0x3310;
	s1 =	simm.s32 $0x1990;
	v19 =	vld [tilespmem:s31+$0x0]  }
0xdf: {  	s19 =	sadd.s32 $0xFFFFFFFF, s19;
	s30 =	simm.s32 $0x4C90;
	p1 =	por $0x1, $0x1;
	v21 =	vor.u32 s22, v1;
	vm6 =	vgt.f32 v16, v9;
	v20 =	vld [tilespmem:s0+$0x0]  }
0xe0: {  	s28 =	simm.s32 $0x9900;
	s29 =	simm.s32 $0x7F80;
	s26 =	simm.s32 $0x0;
	v9 =	vsel vm6, v16, v9;
	v18 =	vsel vm6, v18, v17;
	v16 =	vsel vm6, v21, v17;
	v21 =	vld [tilespmem:s1+$0x0]  }
.LBB2_11:
0xe1: {  	p2 =	sne.s32 s19, $0x1;
	v17 =	vld [tilespmem:s30+$0x0];
	_ =	sdelay $0x3  }
0xe2: {  	v22 =	vmax.f32 v14, v19  }
0xe3: {  	v19 =	vsub.f32 v20, v19;
	v20 =	vmin.f32 v12, v20;
	v23 =	vsub.f32 v17, v21  }
0xe4: {  	v20 =	vsub.f32 v20, v22;
	v21 =	vmax.f32 v13, v21;
	v17 =	vmin.f32 v11, v17  }
0xe5: {  	v19 =	vmax.f32 v19, $0.0e+00;
	v17 =	vsub.f32 v17, v21;
	v22 =	vmax.f32 v23, $0.0e+00  }
0xe6: {  	v19 =	vmul.f32 v22, v19  }
0xe7: {  	v20 =	vmax.f32 v20, $0.0e+00;
	v17 =	vmax.f32 v17, $0.0e+00  }
0xe8: {  	v17 =	vmul.f32 v17, v20;
	v19 =	vadd.f32 v19, v15;
	_ =	sdelay $0x1  }
0xe9: {  	v19 =	vsub.f32 v19, v17;
	_ =	sdelay $0x1  }
0xea: {  	vm6 =	vgt.f32 v19, $0.0e+00  }
0xeb: {  	v19 =	vnsel vm6, $0x3F800000, v19  }
0xec: {  	(erf) = vrcp.f32 v19;
	_ =	sdelay $0x6  }
0xed: {  	s28 =	sadd.s32 $0x10, s28  }
0xee: {  	v20 =	vld [tilespmem:s28+$0x0]  }
0xef: {  	s29 =	sadd.s32 $0x10, s29;
	v19 =	vpop (erf)  }
0xf0: {  	v21 =	vld [tilespmem:s29+$0x0];
	v17 =	vmul.f32 v19, v17;
	_ =	sdelay $0x1  }
0xf1: {  	vm7 =	vgt.f32 v17, $5.000000000e-01  }
0xf2: {  	vm6 =	vmand vm6, vm7;
	vm7 =	veq.s32 v20, v10  }
0xf3: {  	vm6 =	vmor vm7, vm6  }
.Ltmp9:
0xf4: {  	s26 =	sadd.s32 $0x10, s26;
	v17 =	vsel vm6, $0xD01502F9, v21;
	(pc) =	sbr.rel @p2 .LBB2_11-.Ltmp9, $4  }
0xf5: {  	s31 =	sadd.s32 $0x10, s31;
	v21 =	vor.u32 s26, v1;
	[tilespmem:s29+$0x0] =	vst v17;
	vm6 =	vgt.f32 v17, v9  }
0xf6: {  	s0 =	sadd.s32 $0x10, s0;
	v19 =	vld [tilespmem:s31+$0x0];
	v9 =	vsel vm6, v17, v9;
	v18 =	vsel vm6, v20, v18;
	v16 =	vsel vm6, v21, v16  }
0xf7: {  	s1 =	sadd.s32 $0x10, s1;
	v20 =	vld [tilespmem:s0+$0x0]  }
0xf8: {  	s19 =	sadd.s32 $0xFFFFFFFF, s19;
	s30 =	sadd.s32 $0x10, s30;
	v21 =	vld [tilespmem:s1+$0x0]  }
0xf9: {  	v17 =	vmov v18  }
.LBB2_13:
0xfa: {  	v18 =	vld [tilespmem:s30+$0x0];
	_ =	sdelay $0x3  }
0xfb: {  	v14 =	vmax.f32 v14, v19  }
0xfc: {  	v19 =	vsub.f32 v20, v19;
	v12 =	vmin.f32 v12, v20;
	v22 =	vsub.f32 v18, v21  }
0xfd: {  	v13 =	vmax.f32 v13, v21;
	v12 =	vsub.f32 v12, v14;
	v11 =	vmin.f32 v11, v18  }
0xfe: {  	v58 =	vmax.f32 v19, $0.0e+00;
	v11 =	vsub.f32 v11, v13;
	v18 =	vmax.f32 v22, $0.0e+00  }
0xff: {  	v59 =	vmul.f32 v18, v58  }
0x100: {  	v12 =	vmax.f32 v12, $0.0e+00;
	v11 =	vmax.f32 v11, $0.0e+00  }
0x101: {  	v11 =	vmul.f32 v11, v12;
	v60 =	vadd.f32 v59, v15;
	_ =	sdelay $0x1  }
0x102: {  	v12 =	vsub.f32 v60, v11;
	_ =	sdelay $0x1  }
0x103: {  	vm6 =	vgt.f32 v12, $0.0e+00  }
0x104: {  	v12 =	vnsel vm6, $0x3F800000, v12  }
0x105: {  	(erf) = vrcp.f32 v12;
	_ =	sdelay $0x5  }
0x106: {  	s0 =	sadd.s32 @p1 $0x10, s28  }
0x107: {  	s25 =	smov.u32 @p1 s0  }
0x108: {  	s0 =	sadd.s32 @p1 $0x10, s29;
	v61 =	vld [tilespmem:s25+$0x0]  }
0x109: {  	s24 =	smov.u32 @p1 s0;
	v62 =	vpop (erf)  }
0x10a: {  	v63 =	vld [tilespmem:s24+$0x0];
	v11 =	vmul.f32 v62, v11;
	_ =	sdelay $0x1  }
0x10b: {  	vm7 =	vgt.f32 v11, $5.000000000e-01  }
.Ltmp10:
0x10c: {  	vm6 =	vmand vm6, vm7;
	vm7 =	veq.s32 v61, v10;
	(pc) =	sbr.rel .LBB2_14-.Ltmp10, $4  }
0x10d: {  	s1 =	simm.s32 $0x0;
	s0 =	sadd.s32 @p1 $0x10, s26;
	vm6 =	vmor vm7, vm6  }
0x10e: {  	s1 =	smov.u32 @p1 s0;
	v10 =	vsel vm6, $0xD01502F9, v63  }
0x10f: {  	v11 =	vor.u32 s1, v1;
	vm6 =	vgt.f32 v10, v9  }
0x110: {  	[tilespmem:s24+$0x0] =	vst v10;
	v9 =	vsel vm6, v10, v9;
	v17 =	vsel vm6, v61, v17;
	v10 =	vsel vm6, v11, v16  }
.LBB2_8:
.Ltmp11:
0x111: {  	(pc) =	sbr.rel .LBB2_13-.Ltmp11, $2  }
0x112: {  	_ =	sdelay $0x2  }
0x113: {  	s28 =	simm.s32 $0x9900;
	s29 =	simm.s32 $0x7F80;
	s26 =	simm.s32 $0x0;
	v16 =	vimm.s32 $0x0  }
.LBB2_10:
.Ltmp12:
0x114: {  	(pc) =	sbr.rel .LBB2_13-.Ltmp12, $2  }
0x115: {  	_ =	sdelay $0x2  }
0x116: {  	s28 =	simm.s32 $0x9900;
	s29 =	simm.s32 $0x7F80;
	s26 =	simm.s32 $0x0;
	v17 =	vmov v18  }
.Lfunc_end2:
_tile_overlayer_lowered:
.L_overlay_start_2:
0x117: {  	(tag) =	ssettag $0x2  }
0x118: {  	s0 =	rddreg [dreg:$0x0];
	s2 =	stileid.u32  }
0x119: {  	s1 =	rddreg [dreg:$0x1];
	p0 =	sne.s32 s2, $0x0  }
0x11a: {  	s3 =	rddreg [dreg:$0x2];
	[bflag:$0x3] =	sbarrier.arrive $0xFFFF;
	s2 =	simm.s32 @!p0 $0x1C01  }
0x11b: {  	[timem:s3], [sflag:s2] =	dma.local @!p0 [hbm:s0], s1  }
0x11c: {  	s0 =	simm.s32 @!p0 $0x1  }
0x11d: {  	_ =	swait.ge @!p0 [sflag:s0], s1  }
0x11e: {  	s1 =	ssub.s32 @!p0 $0x0, s1;
	[sflag:s0] =	ssyncset.done @!p0 $0x0  }
0x11f: {  	[sflag:s0] =	ssyncadd.s32 @!p0 s1  }
0x120: {  	[bflag:$0x3] =	sbarrier.arrive $0xFFFF  }
0x121: {  	_ =	shalt  }

</sc_bundles>
